<compile_context>
chip_gen: v7x
topology: tpu7x:2x2x1
jax: 0.10.2.dev20260603
libtpu: 0.0.44.dev20260713+nightly
codegen_flags: <defaults>
</compile_context>

<pallas_src>
import functools

import jax
import jax.numpy as jnp
from jax import lax
from jax.experimental import pallas as pl
from jax.experimental.pallas import tpu as pltpu
from jax.experimental.pallas import tpu_sc as plsc

N_NODES = 10000
N_EDGES = 320000
D = 128
NC = 2
NT = 16
PER_TILE = N_EDGES // (NC * NT)
CH = 80
NCH = PER_TILE // CH
NB = 5
BANDR = 3712
NBAND = 3
TRASH = 128
RPT = BANDR // NT
ZR = 116
LANES = 16


def _sc_segment_sum(feature, sd6):
    mesh = plsc.VectorSubcoreMesh(core_axis_name="c", subcore_axis_name="s")

    @functools.partial(
        pl.kernel,
        mesh=mesh,
        out_type=jax.ShapeDtypeStruct(
            (NC, NBAND, NT, RPT // ZR, ZR, D), jnp.float32),
        scratch_types=[
            pltpu.VMEM((2, NCH, CH), jnp.int32),
            pltpu.VMEM((CH,), jnp.int32),
            pltpu.VMEM((NB, CH, D), jnp.float32),
            pltpu.VMEM((ZR, D), jnp.float32),
            pltpu.VMEM_SHARED((BANDR + TRASH, D), jnp.float32),
            pltpu.SemaphoreType.DMA,
        ],
    )
    def body(feat_hbm, sd_hbm, out_hbm, sd_v, lidx, rbufs, zbuf, agg_sh, gsem):
        c = lax.axis_index("c")
        s = lax.axis_index("s")

        pltpu.sync_copy(sd_hbm.at[0, c, s], sd_v.at[0])
        pltpu.sync_copy(sd_hbm.at[1, c, s], sd_v.at[1])

        def zrow(i, carry):
            for j in range(D // LANES):
                zbuf[i, pl.ds(j * LANES, LANES)] = jnp.zeros((LANES,), jnp.float32)
            return carry
        lax.fori_loop(0, ZR, zrow, 0)

        def band(b, carry):
            base = b * BANDR

            def zcopy(q, qcarry):
                pltpu.sync_copy(zbuf, agg_sh.at[pl.ds(s * RPT + q * ZR, ZR), :])
                return qcarry
            lax.fori_loop(0, RPT // ZR, zcopy, 0)

            plsc.subcore_barrier()

            def prolog(k, kcarry):
                pltpu.async_copy(feat_hbm.at[sd_v.at[0, k]], rbufs.at[k], gsem)
                return kcarry
            lax.fori_loop(0, NB, prolog, 0)

            def step(j, jcarry):
                slot = lax.rem(j, jnp.int32(NB))
                pltpu.make_async_copy(
                    feat_hbm.at[pl.ds(0, CH), :], rbufs.at[slot], gsem
                ).wait()
                for v in range(CH // LANES):
                    dvec = sd_v[1, j, pl.ds(v * LANES, LANES)]
                    loc = dvec - base
                    msk = (loc >= 0) & (loc < BANDR)
                    spread = BANDR + (dvec & (TRASH - 1))
                    lidx[pl.ds(v * LANES, LANES)] = jnp.where(msk, loc, spread)
                pltpu.sync_copy(rbufs.at[slot], agg_sh.at[lidx], add=True)
                nxt = j + NB

                @pl.when(nxt < NCH)
                def _():
                    pltpu.async_copy(feat_hbm.at[sd_v.at[0, nxt]],
                                     rbufs.at[slot], gsem)
                return jcarry

            lax.fori_loop(0, NCH, step, 0)

            plsc.subcore_barrier()

            def wb(q, qcarry):
                pltpu.sync_copy(agg_sh.at[pl.ds(s * RPT + q * ZR, ZR), :],
                                out_hbm.at[c, b, s, q])
                return qcarry
            lax.fori_loop(0, RPT // ZR, wb, 0)

            plsc.subcore_barrier()
            return carry

        lax.fori_loop(0, NBAND, band, 0)

    return body(feature, sd6)


def _tc_linear(aggT, W2, b2):
    R = 2000
    grid = (N_NODES // R,)

    def mm_body(a_ref, w_ref, b_ref, o_ref):
        a = a_ref[0] + a_ref[1]
        acc = jnp.dot(a, w_ref[...], preferred_element_type=jnp.float32)
        o_ref[...] = acc + b_ref[...]

    return pl.pallas_call(
        mm_body,
        grid=grid,
        in_specs=[
            pl.BlockSpec((2, R, D), lambda i: (0, i, 0)),
            pl.BlockSpec((D, D), lambda i: (0, 0)),
            pl.BlockSpec((1, D), lambda i: (0, 0)),
        ],
        out_specs=pl.BlockSpec((R, D), lambda i: (i, 0)),
        out_shape=jax.ShapeDtypeStruct((N_NODES, D), jnp.float32),
    )(aggT, W2, b2.reshape(1, D))


def kernel(feature, edge_index, W1, b1, W2, b2):
    sd6 = edge_index.reshape(2, NC, NT, NCH, CH)
    aggT = _sc_segment_sum(feature, sd6).reshape(NC, NBAND * BANDR, D)
    return _tc_linear(aggT, W2, b2)

# --- scband reference (transcript-rebuilt; emitter-appended) ---
"""Pipeline reference for scband-unsupervised-gcn-49555332661645 (READ-ONLY COPY).

The authoritative reference and input builder live on the scoring server;
editing this copy changes nothing except your own understanding.
"""

import jax, jax.numpy as jnp
import numpy as np

N_NODES = 10000
N_EDGES = 320000
D = 128


def setup_inputs(seed: int = 0) -> dict:
    key = jax.random.key(seed)
    k1, k2, k3, k4, k5, k6 = jax.random.split(key, 6)
    feature = jax.random.normal(k1, (N_NODES, D), dtype=jnp.float32)
    edge_index = jax.random.randint(k2, (2, N_EDGES), 0, N_NODES, dtype=jnp.int32)
    # Learned parameters for 2 GCNLayers (each nn.Linear(hidden, hidden))
    W1 = jax.random.normal(k3, (D, D), dtype=jnp.float32) * 0.05
    b1 = jnp.zeros((D,), dtype=jnp.float32)
    W2 = jax.random.normal(k4, (D, D), dtype=jnp.float32) * 0.05
    b2 = jnp.zeros((D,), dtype=jnp.float32)
    return {"feature": feature, "edge_index": edge_index, "W1": W1, "b1": b1, "W2": W2, "b2": b2}


def reference(feature, edge_index, W1, b1, W2, b2):
    # Faithful translation of UnsupervisedGCN.forward.
    # GCNLayer (standard DGL tutorial layer): h = act(Linear(sum_{j in N(i)} x_j))
    # NOTE: the original forward applies every layer to the ORIGINAL `feature`
    # (feats = layer(g, feature) in the loop), so only the last layer's output
    # is returned. We replicate that behavior faithfully.
    src = edge_index[0]
    dst = edge_index[1]
    n = feature.shape[0]

    def gcn_layer(x, W, b, act):
        msg = jnp.take(x, src, axis=0)                      # gather (copy_src)
        agg = jax.ops.segment_sum(msg, dst, num_segments=n)  # scatter-add (sum reduce)
        h = agg @ W + b                                      # nn.Linear
        return act(h)

    layers = [(W1, b1, jax.nn.relu), (W2, b2, lambda t: t)]
    feats = None
    for (W, b, act) in layers:
        feats = gcn_layer(feature, W, b, act)
    return feats

if __name__ == "__main__":
    import jax
    _d = setup_inputs()
    print(jax.jit(kernel)(*tuple(_d.values())))

</pallas_src>

<mosaic_0001>
#map = affine_map<(d0, d1) -> (0, 0)>
#map1 = affine_map<(d0, d1) -> (0, 0, 0, 0, 0)>
#map2 = affine_map<(d0, d1) -> (0, 0, 0, 0, 0, 0)>
module attributes {stable_mosaic.version = 14 : i64} {
  func.func @body(%arg0: i32, %arg1: i32, %arg2: memref<10000x128xf32, #tpu.memory_space<hbm>>, %arg3: memref<2x2x16x125x80xi32, #tpu.memory_space<hbm>>, %arg4: memref<2x3x16x2x116x128xf32, #tpu.memory_space<hbm>>, %arg5: memref<2x125x80xi32, #tpu.memory_space<vmem>>, %arg6: memref<80xi32, #tpu.memory_space<vmem>>, %arg7: memref<5x80x128xf32, #tpu.memory_space<vmem>>, %arg8: memref<116x128xf32, #tpu.memory_space<vmem>>, %arg9: memref<3840x128xf32, #tpu.memory_space<vmem_shared>>, %arg10: memref<!tpu.dma_semaphore, #tpu.memory_space<semaphore_mem>>) attributes {dimension_semantics = [#tpu.dimension_semantics<core_parallel>, #tpu.dimension_semantics<subcore_parallel>], iteration_bounds = array<i64: 2, 16>, scalar_prefetch = 0 : i64, scratch_operands = 6 : i64, tpu.core_type = #tpu.core_type<sc_vector_subcore>, window_params = [{transform_indices = #map}, {transform_indices = #map1}, {transform_indices = #map2}]} {
    %run_scoped3A = arith.constant 0 : i32
    %run_scoped3A_0 = arith.constant 0 : i32
    "tpu.region"() ({
      %run_scoped3A_14 = tpu.sem_alloc : memref<!tpu.dma_semaphore, #tpu.memory_space<semaphore_mem>>
      %dma_start3A = arith.constant 0 : i32
      %dma_start3A_15 = arith.constant 0 : i32
      %dma_start3A_16 = tpu.memref_slice %arg5[%run_scoped3A_0, %dma_start3A, %dma_start3A_15] : memref<2x125x80xi32, #tpu.memory_space<vmem>> -> memref<1x125x80xi32, #tpu.memory_space<vmem>>
      %dma_start3A_17 = tpu.memref_squeeze %dma_start3A_16 : memref<1x125x80xi32, #tpu.memory_space<vmem>> -> memref<125x80xi32, #tpu.memory_space<vmem>>
      %dma_start3A_18 = arith.constant 0 : i32
      %dma_start3A_19 = arith.constant 0 : i32
      %dma_start3A_20 = tpu.memref_slice %arg3[%run_scoped3A, %arg0, %arg1, %dma_start3A_18, %dma_start3A_19] : memref<2x2x16x125x80xi32, #tpu.memory_space<hbm>> -> memref<1x1x1x125x80xi32, #tpu.memory_space<hbm>>
      %dma_start3A_21 = tpu.memref_squeeze %dma_start3A_20 : memref<1x1x1x125x80xi32, #tpu.memory_space<hbm>> -> memref<125x80xi32, #tpu.memory_space<hbm>>
      %dma_start3A_22 = arith.constant 0 : i32
      %dma_start3A_23 = arith.constant 0 : i32
      %dma_start3A_24 = tpu.memref_slice %arg5[%run_scoped3A_0, %dma_start3A_22, %dma_start3A_23] : memref<2x125x80xi32, #tpu.memory_space<vmem>> -> memref<1x125x80xi32, #tpu.memory_space<vmem>>
      %dma_start3A_25 = tpu.memref_squeeze %dma_start3A_24 : memref<1x125x80xi32, #tpu.memory_space<vmem>> -> memref<125x80xi32, #tpu.memory_space<vmem>>
      %dma_start3A_26 = arith.constant 0 : i32
      %dma_start3A_27 = arith.constant 0 : i32
      %dma_start3A_28 = tpu.memref_slice %arg3[%run_scoped3A, %arg0, %arg1, %dma_start3A_26, %dma_start3A_27] : memref<2x2x16x125x80xi32, #tpu.memory_space<hbm>> -> memref<1x1x1x125x80xi32, #tpu.memory_space<hbm>>
      %dma_start3A_29 = tpu.memref_squeeze %dma_start3A_28 : memref<1x1x1x125x80xi32, #tpu.memory_space<hbm>> -> memref<125x80xi32, #tpu.memory_space<hbm>>
      tpu.enqueue_dma source(%dma_start3A_29 : memref<125x80xi32, #tpu.memory_space<hbm>>) target(%dma_start3A_25 : memref<125x80xi32, #tpu.memory_space<vmem>>) target_semaphore(%run_scoped3A_14 : memref<!tpu.dma_semaphore, #tpu.memory_space<semaphore_mem>>)
      %dma_wait3A = arith.constant 0 : i32
      %dma_wait3A_30 = arith.constant 0 : i32
      %dma_wait3A_31 = tpu.memref_slice %arg5[%run_scoped3A_0, %dma_wait3A, %dma_wait3A_30] : memref<2x125x80xi32, #tpu.memory_space<vmem>> -> memref<1x125x80xi32, #tpu.memory_space<vmem>>
      %dma_wait3A_32 = tpu.memref_squeeze %dma_wait3A_31 : memref<1x125x80xi32, #tpu.memory_space<vmem>> -> memref<125x80xi32, #tpu.memory_space<vmem>>
      %dma_wait3A_33 = arith.constant 0 : i32
      %dma_wait3A_34 = arith.constant 0 : i32
      %dma_wait3A_35 = tpu.memref_slice %arg3[%run_scoped3A, %arg0, %arg1, %dma_wait3A_33, %dma_wait3A_34] : memref<2x2x16x125x80xi32, #tpu.memory_space<hbm>> -> memref<1x1x1x125x80xi32, #tpu.memory_space<hbm>>
      %dma_wait3A_36 = tpu.memref_squeeze %dma_wait3A_35 : memref<1x1x1x125x80xi32, #tpu.memory_space<hbm>> -> memref<125x80xi32, #tpu.memory_space<hbm>>
      %dma_wait3A_37 = arith.constant 0 : i32
      %dma_wait3A_38 = arith.constant 0 : i32
      %dma_wait3A_39 = tpu.memref_slice %arg5[%run_scoped3A_0, %dma_wait3A_37, %dma_wait3A_38] : memref<2x125x80xi32, #tpu.memory_space<vmem>> -> memref<1x125x80xi32, #tpu.memory_space<vmem>>
      %dma_wait3A_40 = tpu.memref_squeeze %dma_wait3A_39 : memref<1x125x80xi32, #tpu.memory_space<vmem>> -> memref<125x80xi32, #tpu.memory_space<vmem>>
      %dma_wait3A_41 = arith.constant 0 : i32
      %dma_wait3A_42 = arith.constant 0 : i32
      %dma_wait3A_43 = tpu.memref_slice %arg3[%run_scoped3A, %arg0, %arg1, %dma_wait3A_41, %dma_wait3A_42] : memref<2x2x16x125x80xi32, #tpu.memory_space<hbm>> -> memref<1x1x1x125x80xi32, #tpu.memory_space<hbm>>
      %dma_wait3A_44 = tpu.memref_squeeze %dma_wait3A_43 : memref<1x1x1x125x80xi32, #tpu.memory_space<hbm>> -> memref<125x80xi32, #tpu.memory_space<hbm>>
      tpu.wait_dma2 semaphore(%run_scoped3A_14 : memref<!tpu.dma_semaphore, #tpu.memory_space<semaphore_mem>>) src(%dma_wait3A_44 : memref<125x80xi32, #tpu.memory_space<hbm>>) dst(%dma_wait3A_40 : memref<125x80xi32, #tpu.memory_space<vmem>>)
      tpu.yield
    }) : () -> ()
    %run_scoped3A_1 = arith.constant 1 : i32
    %run_scoped3A_2 = arith.constant 1 : i32
    "tpu.region"() ({
      %run_scoped3A_14 = tpu.sem_alloc : memref<!tpu.dma_semaphore, #tpu.memory_space<semaphore_mem>>
      %dma_start3A = arith.constant 0 : i32
      %dma_start3A_15 = arith.constant 0 : i32
      %dma_start3A_16 = tpu.memref_slice %arg5[%run_scoped3A_2, %dma_start3A, %dma_start3A_15] : memref<2x125x80xi32, #tpu.memory_space<vmem>> -> memref<1x125x80xi32, #tpu.memory_space<vmem>>
      %dma_start3A_17 = tpu.memref_squeeze %dma_start3A_16 : memref<1x125x80xi32, #tpu.memory_space<vmem>> -> memref<125x80xi32, #tpu.memory_space<vmem>>
      %dma_start3A_18 = arith.constant 0 : i32
      %dma_start3A_19 = arith.constant 0 : i32
      %dma_start3A_20 = tpu.memref_slice %arg3[%run_scoped3A_1, %arg0, %arg1, %dma_start3A_18, %dma_start3A_19] : memref<2x2x16x125x80xi32, #tpu.memory_space<hbm>> -> memref<1x1x1x125x80xi32, #tpu.memory_space<hbm>>
      %dma_start3A_21 = tpu.memref_squeeze %dma_start3A_20 : memref<1x1x1x125x80xi32, #tpu.memory_space<hbm>> -> memref<125x80xi32, #tpu.memory_space<hbm>>
      %dma_start3A_22 = arith.constant 0 : i32
      %dma_start3A_23 = arith.constant 0 : i32
      %dma_start3A_24 = tpu.memref_slice %arg5[%run_scoped3A_2, %dma_start3A_22, %dma_start3A_23] : memref<2x125x80xi32, #tpu.memory_space<vmem>> -> memref<1x125x80xi32, #tpu.memory_space<vmem>>
      %dma_start3A_25 = tpu.memref_squeeze %dma_start3A_24 : memref<1x125x80xi32, #tpu.memory_space<vmem>> -> memref<125x80xi32, #tpu.memory_space<vmem>>
      %dma_start3A_26 = arith.constant 0 : i32
      %dma_start3A_27 = arith.constant 0 : i32
      %dma_start3A_28 = tpu.memref_slice %arg3[%run_scoped3A_1, %arg0, %arg1, %dma_start3A_26, %dma_start3A_27] : memref<2x2x16x125x80xi32, #tpu.memory_space<hbm>> -> memref<1x1x1x125x80xi32, #tpu.memory_space<hbm>>
      %dma_start3A_29 = tpu.memref_squeeze %dma_start3A_28 : memref<1x1x1x125x80xi32, #tpu.memory_space<hbm>> -> memref<125x80xi32, #tpu.memory_space<hbm>>
      tpu.enqueue_dma source(%dma_start3A_29 : memref<125x80xi32, #tpu.memory_space<hbm>>) target(%dma_start3A_25 : memref<125x80xi32, #tpu.memory_space<vmem>>) target_semaphore(%run_scoped3A_14 : memref<!tpu.dma_semaphore, #tpu.memory_space<semaphore_mem>>)
      %dma_wait3A = arith.constant 0 : i32
      %dma_wait3A_30 = arith.constant 0 : i32
      %dma_wait3A_31 = tpu.memref_slice %arg5[%run_scoped3A_2, %dma_wait3A, %dma_wait3A_30] : memref<2x125x80xi32, #tpu.memory_space<vmem>> -> memref<1x125x80xi32, #tpu.memory_space<vmem>>
      %dma_wait3A_32 = tpu.memref_squeeze %dma_wait3A_31 : memref<1x125x80xi32, #tpu.memory_space<vmem>> -> memref<125x80xi32, #tpu.memory_space<vmem>>
      %dma_wait3A_33 = arith.constant 0 : i32
      %dma_wait3A_34 = arith.constant 0 : i32
      %dma_wait3A_35 = tpu.memref_slice %arg3[%run_scoped3A_1, %arg0, %arg1, %dma_wait3A_33, %dma_wait3A_34] : memref<2x2x16x125x80xi32, #tpu.memory_space<hbm>> -> memref<1x1x1x125x80xi32, #tpu.memory_space<hbm>>
      %dma_wait3A_36 = tpu.memref_squeeze %dma_wait3A_35 : memref<1x1x1x125x80xi32, #tpu.memory_space<hbm>> -> memref<125x80xi32, #tpu.memory_space<hbm>>
      %dma_wait3A_37 = arith.constant 0 : i32
      %dma_wait3A_38 = arith.constant 0 : i32
      %dma_wait3A_39 = tpu.memref_slice %arg5[%run_scoped3A_2, %dma_wait3A_37, %dma_wait3A_38] : memref<2x125x80xi32, #tpu.memory_space<vmem>> -> memref<1x125x80xi32, #tpu.memory_space<vmem>>
      %dma_wait3A_40 = tpu.memref_squeeze %dma_wait3A_39 : memref<1x125x80xi32, #tpu.memory_space<vmem>> -> memref<125x80xi32, #tpu.memory_space<vmem>>
      %dma_wait3A_41 = arith.constant 0 : i32
      %dma_wait3A_42 = arith.constant 0 : i32
      %dma_wait3A_43 = tpu.memref_slice %arg3[%run_scoped3A_1, %arg0, %arg1, %dma_wait3A_41, %dma_wait3A_42] : memref<2x2x16x125x80xi32, #tpu.memory_space<hbm>> -> memref<1x1x1x125x80xi32, #tpu.memory_space<hbm>>
      %dma_wait3A_44 = tpu.memref_squeeze %dma_wait3A_43 : memref<1x1x1x125x80xi32, #tpu.memory_space<hbm>> -> memref<125x80xi32, #tpu.memory_space<hbm>>
      tpu.wait_dma2 semaphore(%run_scoped3A_14 : memref<!tpu.dma_semaphore, #tpu.memory_space<semaphore_mem>>) src(%dma_wait3A_44 : memref<125x80xi32, #tpu.memory_space<hbm>>) dst(%dma_wait3A_40 : memref<125x80xi32, #tpu.memory_space<vmem>>)
      tpu.yield
    }) : () -> ()
    %scan3A = arith.constant 0 : i32
    %scan3A_3 = arith.constant 0 : i32
    %scan3A_4 = arith.constant 116 : i32
    %scan3A_5 = arith.addi %scan3A_3, %scan3A_4 : i32
    %scan3A_6 = arith.constant 1 : i32
    scf.for %scan3A_14 = %scan3A_3 to %scan3A_5 step %scan3A_6  : i32 {
      %broadcast_in_dim3A = arith.constant 0.000000e+00 : f32
      %broadcast_in_dim3A_15 = vector.broadcast %broadcast_in_dim3A : f32 to vector<16xf32>
      %swap3A = arith.index_cast %scan3A_14 : i32 to index
      %swap3A_16 = arith.constant 0 : index
      %swap3A_17 = tpu.vector_load %arg8[%swap3A, %swap3A_16] {strides = array<i32>} : memref<116x128xf32, #tpu.memory_space<vmem>>, vector<1x16xf32>,
      %swap3A_18 = vector.shape_cast %swap3A_17 : vector<1x16xf32> to vector<16xf32>
      %swap3A_19 = vector.shape_cast %broadcast_in_dim3A_15 : vector<16xf32> to vector<1x16xf32>
      tpu.vector_store %arg8[%swap3A, %swap3A_16], %swap3A_19 {strides = array<i32>} : memref<116x128xf32, #tpu.memory_space<vmem>>, vector<1x16xf32>,
      %broadcast_in_dim3A_20 = arith.constant 0.000000e+00 : f32
      %broadcast_in_dim3A_21 = vector.broadcast %broadcast_in_dim3A_20 : f32 to vector<16xf32>
      %swap3A_22 = arith.index_cast %scan3A_14 : i32 to index
      %swap3A_23 = arith.constant 16 : index
      %swap3A_24 = tpu.vector_load %arg8[%swap3A_22, %swap3A_23] {strides = array<i32>} : memref<116x128xf32, #tpu.memory_space<vmem>>, vector<1x16xf32>,
      %swap3A_25 = vector.shape_cast %swap3A_24 : vector<1x16xf32> to vector<16xf32>
      %swap3A_26 = vector.shape_cast %broadcast_in_dim3A_21 : vector<16xf32> to vector<1x16xf32>
      tpu.vector_store %arg8[%swap3A_22, %swap3A_23], %swap3A_26 {strides = array<i32>} : memref<116x128xf32, #tpu.memory_space<vmem>>, vector<1x16xf32>,
      %broadcast_in_dim3A_27 = arith.constant 0.000000e+00 : f32
      %broadcast_in_dim3A_28 = vector.broadcast %broadcast_in_dim3A_27 : f32 to vector<16xf32>
      %swap3A_29 = arith.index_cast %scan3A_14 : i32 to index
      %swap3A_30 = arith.constant 32 : index
      %swap3A_31 = tpu.vector_load %arg8[%swap3A_29, %swap3A_30] {strides = array<i32>} : memref<116x128xf32, #tpu.memory_space<vmem>>, vector<1x16xf32>,
      %swap3A_32 = vector.shape_cast %swap3A_31 : vector<1x16xf32> to vector<16xf32>
      %swap3A_33 = vector.shape_cast %broadcast_in_dim3A_28 : vector<16xf32> to vector<1x16xf32>
      tpu.vector_store %arg8[%swap3A_29, %swap3A_30], %swap3A_33 {strides = array<i32>} : memref<116x128xf32, #tpu.memory_space<vmem>>, vector<1x16xf32>,
      %broadcast_in_dim3A_34 = arith.constant 0.000000e+00 : f32
      %broadcast_in_dim3A_35 = vector.broadcast %broadcast_in_dim3A_34 : f32 to vector<16xf32>
      %swap3A_36 = arith.index_cast %scan3A_14 : i32 to index
      %swap3A_37 = arith.constant 48 : index
      %swap3A_38 = tpu.vector_load %arg8[%swap3A_36, %swap3A_37] {strides = array<i32>} : memref<116x128xf32, #tpu.memory_space<vmem>>, vector<1x16xf32>,
      %swap3A_39 = vector.shape_cast %swap3A_38 : vector<1x16xf32> to vector<16xf32>
      %swap3A_40 = vector.shape_cast %broadcast_in_dim3A_35 : vector<16xf32> to vector<1x16xf32>
      tpu.vector_store %arg8[%swap3A_36, %swap3A_37], %swap3A_40 {strides = array<i32>} : memref<116x128xf32, #tpu.memory_space<vmem>>, vector<1x16xf32>,
      %broadcast_in_dim3A_41 = arith.constant 0.000000e+00 : f32
      %broadcast_in_dim3A_42 = vector.broadcast %broadcast_in_dim3A_41 : f32 to vector<16xf32>
      %swap3A_43 = arith.index_cast %scan3A_14 : i32 to index
      %swap3A_44 = arith.constant 64 : index
      %swap3A_45 = tpu.vector_load %arg8[%swap3A_43, %swap3A_44] {strides = array<i32>} : memref<116x128xf32, #tpu.memory_space<vmem>>, vector<1x16xf32>,
      %swap3A_46 = vector.shape_cast %swap3A_45 : vector<1x16xf32> to vector<16xf32>
      %swap3A_47 = vector.shape_cast %broadcast_in_dim3A_42 : vector<16xf32> to vector<1x16xf32>
      tpu.vector_store %arg8[%swap3A_43, %swap3A_44], %swap3A_47 {strides = array<i32>} : memref<116x128xf32, #tpu.memory_space<vmem>>, vector<1x16xf32>,
      %broadcast_in_dim3A_48 = arith.constant 0.000000e+00 : f32
      %broadcast_in_dim3A_49 = vector.broadcast %broadcast_in_dim3A_48 : f32 to vector<16xf32>
      %swap3A_50 = arith.index_cast %scan3A_14 : i32 to index
      %swap3A_51 = arith.constant 80 : index
      %swap3A_52 = tpu.vector_load %arg8[%swap3A_50, %swap3A_51] {strides = array<i32>} : memref<116x128xf32, #tpu.memory_space<vmem>>, vector<1x16xf32>,
      %swap3A_53 = vector.shape_cast %swap3A_52 : vector<1x16xf32> to vector<16xf32>
      %swap3A_54 = vector.shape_cast %broadcast_in_dim3A_49 : vector<16xf32> to vector<1x16xf32>
      tpu.vector_store %arg8[%swap3A_50, %swap3A_51], %swap3A_54 {strides = array<i32>} : memref<116x128xf32, #tpu.memory_space<vmem>>, vector<1x16xf32>,
      %broadcast_in_dim3A_55 = arith.constant 0.000000e+00 : f32
      %broadcast_in_dim3A_56 = vector.broadcast %broadcast_in_dim3A_55 : f32 to vector<16xf32>
      %swap3A_57 = arith.index_cast %scan3A_14 : i32 to index
      %swap3A_58 = arith.constant 96 : index
      %swap3A_59 = tpu.vector_load %arg8[%swap3A_57, %swap3A_58] {strides = array<i32>} : memref<116x128xf32, #tpu.memory_space<vmem>>, vector<1x16xf32>,
      %swap3A_60 = vector.shape_cast %swap3A_59 : vector<1x16xf32> to vector<16xf32>
      %swap3A_61 = vector.shape_cast %broadcast_in_dim3A_56 : vector<16xf32> to vector<1x16xf32>
      tpu.vector_store %arg8[%swap3A_57, %swap3A_58], %swap3A_61 {strides = array<i32>} : memref<116x128xf32, #tpu.memory_space<vmem>>, vector<1x16xf32>,
      %broadcast_in_dim3A_62 = arith.constant 0.000000e+00 : f32
      %broadcast_in_dim3A_63 = vector.broadcast %broadcast_in_dim3A_62 : f32 to vector<16xf32>
      %swap3A_64 = arith.index_cast %scan3A_14 : i32 to index
      %swap3A_65 = arith.constant 112 : index
      %swap3A_66 = tpu.vector_load %arg8[%swap3A_64, %swap3A_65] {strides = array<i32>} : memref<116x128xf32, #tpu.memory_space<vmem>>, vector<1x16xf32>,
      %swap3A_67 = vector.shape_cast %swap3A_66 : vector<1x16xf32> to vector<16xf32>
      %swap3A_68 = vector.shape_cast %broadcast_in_dim3A_63 : vector<16xf32> to vector<1x16xf32>
      tpu.vector_store %arg8[%swap3A_64, %swap3A_65], %swap3A_68 {strides = array<i32>} : memref<116x128xf32, #tpu.memory_space<vmem>>, vector<1x16xf32>,
    }
    %scan3A_7 = arith.constant 116 : i32
    %scan3A_8 = arith.constant 0 : i32
    %scan3A_9 = arith.constant 0 : i32
    %scan3A_10 = arith.constant 3 : i32
    %scan3A_11 = arith.addi %scan3A_9, %scan3A_10 : i32
    %scan3A_12 = arith.constant 1 : i32
    scf.for %scan3A_14 = %scan3A_9 to %scan3A_11 step %scan3A_12  : i32 {
      %mul3A = arith.constant 3712 : i32
      %mul3A_15 = arith.muli %scan3A_14, %mul3A : i32
      %scan3A_16 = arith.constant 0 : i32
      %scan3A_17 = arith.constant 0 : i32
      %scan3A_18 = arith.constant 2 : i32
      %scan3A_19 = arith.addi %scan3A_17, %scan3A_18 : i32
      %scan3A_20 = arith.constant 1 : i32
      scf.for %scan3A_42 = %scan3A_17 to %scan3A_19 step %scan3A_20  : i32 {
        %mul3A_43 = arith.constant 232 : i32
        %mul3A_44 = arith.muli %arg1, %mul3A_43 : i32
        %mul3A_45 = arith.constant 116 : i32
        %mul3A_46 = arith.muli %scan3A_42, %mul3A_45 : i32
        %add3A = arith.addi %mul3A_44, %mul3A_46 : i32
        "tpu.region"() ({
          %run_scoped3A_47 = tpu.sem_alloc : memref<!tpu.dma_semaphore, #tpu.memory_space<semaphore_mem>>
          %dma_start3A = arith.constant 0 : i32
          %dma_start3A_48 = tpu.memref_slice %arg9[%add3A, %dma_start3A] : memref<3840x128xf32, #tpu.memory_space<vmem_shared>> -> memref<116x128xf32, #tpu.memory_space<vmem_shared>>
          %dma_start3A_49 = arith.constant 0 : i32
          %dma_start3A_50 = tpu.memref_slice %arg9[%add3A, %dma_start3A_49] : memref<3840x128xf32, #tpu.memory_space<vmem_shared>> -> memref<116x128xf32, #tpu.memory_space<vmem_shared>>
          tpu.enqueue_dma source(%arg8 : memref<116x128xf32, #tpu.memory_space<vmem>>) target(%dma_start3A_50 : memref<116x128xf32, #tpu.memory_space<vmem_shared>>) target_semaphore(%run_scoped3A_47 : memref<!tpu.dma_semaphore, #tpu.memory_space<semaphore_mem>>)
          %dma_wait3A = arith.constant 0 : i32
          %dma_wait3A_51 = tpu.memref_slice %arg9[%add3A, %dma_wait3A] : memref<3840x128xf32, #tpu.memory_space<vmem_shared>> -> memref<116x128xf32, #tpu.memory_space<vmem_shared>>
          %dma_wait3A_52 = arith.constant 0 : i32
          %dma_wait3A_53 = tpu.memref_slice %arg9[%add3A, %dma_wait3A_52] : memref<3840x128xf32, #tpu.memory_space<vmem_shared>> -> memref<116x128xf32, #tpu.memory_space<vmem_shared>>
          tpu.wait_dma2 semaphore(%run_scoped3A_47 : memref<!tpu.dma_semaphore, #tpu.memory_space<semaphore_mem>>) src(%arg8 : memref<116x128xf32, #tpu.memory_space<vmem>>) dst(%dma_wait3A_53 : memref<116x128xf32, #tpu.memory_space<vmem_shared>>)
          tpu.yield
        }) : () -> ()
      }
      %scan3A_21 = arith.constant 2 : i32
      %barrier3A = arith.constant 0 : index
      tpu.barrier barrier_id(%barrier3A)
      %scan3A_22 = arith.constant 0 : i32
      %scan3A_23 = arith.constant 0 : i32
      %scan3A_24 = arith.constant 5 : i32
      %scan3A_25 = arith.addi %scan3A_23, %scan3A_24 : i32
      %scan3A_26 = arith.constant 1 : i32
      scf.for %scan3A_42 = %scan3A_23 to %scan3A_25 step %scan3A_26  : i32 {
        %dma_start3A = arith.constant 0 : i32
        %dma_start3A_43 = arith.constant 0 : i32
        %dma_start3A_44 = arith.constant 0 : i32
        %dma_start3A_45 = tpu.memref_slice %arg7[%scan3A_42, %dma_start3A_43, %dma_start3A_44] : memref<5x80x128xf32, #tpu.memory_space<vmem>> -> memref<1x80x128xf32, #tpu.memory_space<vmem>>
        %dma_start3A_46 = tpu.memref_squeeze %dma_start3A_45 : memref<1x80x128xf32, #tpu.memory_space<vmem>> -> memref<80x128xf32, #tpu.memory_space<vmem>>
        %dma_start3A_47 = arith.constant 0 : i32
        %dma_start3A_48 = tpu.memref_slice %arg5[%dma_start3A, %scan3A_42, %dma_start3A_47] : memref<2x125x80xi32, #tpu.memory_space<vmem>> -> memref<1x1x80xi32, #tpu.memory_space<vmem>>
        %dma_start3A_49 = tpu.memref_squeeze %dma_start3A_48 : memref<1x1x80xi32, #tpu.memory_space<vmem>> -> memref<80xi32, #tpu.memory_space<vmem>>
        %dma_start3A_50 = arith.constant 0 : i32
        %dma_start3A_51 = arith.constant 0 : i32
        %dma_start3A_52 = tpu.memref_slice %arg2[%dma_start3A_50, %dma_start3A_51] : memref<10000x128xf32, #tpu.memory_space<hbm>> -> memref<10000x128xf32, #tpu.memory_space<hbm>>
        tpu.enqueue_indirect_dma source(%dma_start3A_52 : memref<10000x128xf32, #tpu.memory_space<hbm>>) target(%dma_start3A_46 : memref<80x128xf32, #tpu.memory_space<vmem>>) offsets(%dma_start3A_49 : memref<80xi32, #tpu.memory_space<vmem>>) semaphore(%arg10 : memref<!tpu.dma_semaphore, #tpu.memory_space<semaphore_mem>>)
      }
      %scan3A_27 = arith.constant 5 : i32
      %scan3A_28 = arith.constant 0 : i32
      %scan3A_29 = arith.constant 0 : i32
      %scan3A_30 = arith.constant 125 : i32
      %scan3A_31 = arith.addi %scan3A_29, %scan3A_30 : i32
      %scan3A_32 = arith.constant 1 : i32
      scf.for %scan3A_42 = %scan3A_29 to %scan3A_31 step %scan3A_32  : i32 {
        %rem3A = arith.constant 5 : i32
        %rem3A_43 = arith.remsi %scan3A_42, %rem3A : i32
        %dma_wait3A = arith.constant 0 : i32
        %dma_wait3A_44 = arith.constant 0 : i32
        %dma_wait3A_45 = tpu.memref_slice %arg7[%rem3A_43, %dma_wait3A, %dma_wait3A_44] : memref<5x80x128xf32, #tpu.memory_space<vmem>> -> memref<1x80x128xf32, #tpu.memory_space<vmem>>
        %dma_wait3A_46 = tpu.memref_squeeze %dma_wait3A_45 : memref<1x80x128xf32, #tpu.memory_space<vmem>> -> memref<80x128xf32, #tpu.memory_space<vmem>>
        %dma_wait3A_47 = arith.constant 0 : i32
        %dma_wait3A_48 = arith.constant 0 : i32
        %dma_wait3A_49 = tpu.memref_slice %arg2[%dma_wait3A_47, %dma_wait3A_48] : memref<10000x128xf32, #tpu.memory_space<hbm>> -> memref<80x128xf32, #tpu.memory_space<hbm>>
        %dma_wait3A_50 = arith.constant 0 : i32
        %dma_wait3A_51 = arith.constant 0 : i32
        %dma_wait3A_52 = tpu.memref_slice %arg7[%rem3A_43, %dma_wait3A_50, %dma_wait3A_51] : memref<5x80x128xf32, #tpu.memory_space<vmem>> -> memref<1x80x128xf32, #tpu.memory_space<vmem>>
        %dma_wait3A_53 = tpu.memref_squeeze %dma_wait3A_52 : memref<1x80x128xf32, #tpu.memory_space<vmem>> -> memref<80x128xf32, #tpu.memory_space<vmem>>
        %dma_wait3A_54 = arith.constant 0 : i32
        %dma_wait3A_55 = arith.constant 0 : i32
        %dma_wait3A_56 = tpu.memref_slice %arg2[%dma_wait3A_54, %dma_wait3A_55] : memref<10000x128xf32, #tpu.memory_space<hbm>> -> memref<80x128xf32, #tpu.memory_space<hbm>>
        tpu.wait_dma2 semaphore(%arg10 : memref<!tpu.dma_semaphore, #tpu.memory_space<semaphore_mem>>) src(%dma_wait3A_56 : memref<80x128xf32, #tpu.memory_space<hbm>>) dst(%dma_wait3A_53 : memref<80x128xf32, #tpu.memory_space<vmem>>)
        %get3A = arith.constant 1 : i32
        %get3A_57 = arith.index_cast %get3A : i32 to index
        %get3A_58 = arith.index_cast %scan3A_42 : i32 to index
        %get3A_59 = arith.constant 0 : index
        %get3A_60 = tpu.vector_load %arg5[%get3A_57, %get3A_58, %get3A_59] {strides = array<i32>} : memref<2x125x80xi32, #tpu.memory_space<vmem>>, vector<1x1x16xi32>,
        %get3A_61 = vector.shape_cast %get3A_60 : vector<1x1x16xi32> to vector<16xi32>
        %sub3A = vector.broadcast %mul3A_15 : i32 to vector<16xi32>
        %sub3A_62 = arith.subi %get3A_61, %sub3A : vector<16xi32>
        %ge3A = arith.constant 0 : i32
        %ge3A_63 = vector.broadcast %ge3A : i32 to vector<16xi32>
        %ge3A_64 = arith.cmpi sge, %sub3A_62, %ge3A_63 : vector<16xi32>
        %lt3A = arith.constant 3712 : i32
        %lt3A_65 = vector.broadcast %lt3A : i32 to vector<16xi32>
        %lt3A_66 = arith.cmpi slt, %sub3A_62, %lt3A_65 : vector<16xi32>
        %and3A = arith.andi %ge3A_64, %lt3A_66 : vector<16xi1>
        %and3A_67 = arith.constant 127 : i32
        %and3A_68 = vector.broadcast %and3A_67 : i32 to vector<16xi32>
        %and3A_69 = arith.andi %get3A_61, %and3A_68 : vector<16xi32>
        %add3A = arith.constant 3712 : i32
        %add3A_70 = vector.broadcast %add3A : i32 to vector<16xi32>
        %add3A_71 = arith.addi %add3A_70, %and3A_69 : vector<16xi32>
        %select_n3A = arith.select %and3A, %sub3A_62, %add3A_71 : vector<16xi1>, vector<16xi32>
        %swap3A = arith.constant 0 : index
        %swap3A_72 = tpu.vector_load %arg6[%swap3A] {strides = array<i32>} : memref<80xi32, #tpu.memory_space<vmem>>, vector<16xi32>,
        %swap3A_73 = vector.shape_cast %swap3A_72 : vector<16xi32> to vector<16xi32>
        %swap3A_74 = vector.shape_cast %select_n3A : vector<16xi32> to vector<16xi32>
        tpu.vector_store %arg6[%swap3A], %swap3A_74 {strides = array<i32>} : memref<80xi32, #tpu.memory_space<vmem>>, vector<16xi32>,
        %get3A_75 = arith.constant 1 : i32
        %get3A_76 = arith.index_cast %get3A_75 : i32 to index
        %get3A_77 = arith.index_cast %scan3A_42 : i32 to index
        %get3A_78 = arith.constant 16 : index
        %get3A_79 = tpu.vector_load %arg5[%get3A_76, %get3A_77, %get3A_78] {strides = array<i32>} : memref<2x125x80xi32, #tpu.memory_space<vmem>>, vector<1x1x16xi32>,
        %get3A_80 = vector.shape_cast %get3A_79 : vector<1x1x16xi32> to vector<16xi32>
        %sub3A_81 = vector.broadcast %mul3A_15 : i32 to vector<16xi32>
        %sub3A_82 = arith.subi %get3A_80, %sub3A_81 : vector<16xi32>
        %ge3A_83 = arith.constant 0 : i32
        %ge3A_84 = vector.broadcast %ge3A_83 : i32 to vector<16xi32>
        %ge3A_85 = arith.cmpi sge, %sub3A_82, %ge3A_84 : vector<16xi32>
        %lt3A_86 = arith.constant 3712 : i32
        %lt3A_87 = vector.broadcast %lt3A_86 : i32 to vector<16xi32>
        %lt3A_88 = arith.cmpi slt, %sub3A_82, %lt3A_87 : vector<16xi32>
        %and3A_89 = arith.andi %ge3A_85, %lt3A_88 : vector<16xi1>
        %and3A_90 = arith.constant 127 : i32
        %and3A_91 = vector.broadcast %and3A_90 : i32 to vector<16xi32>
        %and3A_92 = arith.andi %get3A_80, %and3A_91 : vector<16xi32>
        %add3A_93 = arith.constant 3712 : i32
        %add3A_94 = vector.broadcast %add3A_93 : i32 to vector<16xi32>
        %add3A_95 = arith.addi %add3A_94, %and3A_92 : vector<16xi32>
        %select_n3A_96 = arith.select %and3A_89, %sub3A_82, %add3A_95 : vector<16xi1>, vector<16xi32>
        %swap3A_97 = arith.constant 16 : index
        %swap3A_98 = tpu.vector_load %arg6[%swap3A_97] {strides = array<i32>} : memref<80xi32, #tpu.memory_space<vmem>>, vector<16xi32>,
        %swap3A_99 = vector.shape_cast %swap3A_98 : vector<16xi32> to vector<16xi32>
        %swap3A_100 = vector.shape_cast %select_n3A_96 : vector<16xi32> to vector<16xi32>
        tpu.vector_store %arg6[%swap3A_97], %swap3A_100 {strides = array<i32>} : memref<80xi32, #tpu.memory_space<vmem>>, vector<16xi32>,
        %get3A_101 = arith.constant 1 : i32
        %get3A_102 = arith.index_cast %get3A_101 : i32 to index
        %get3A_103 = arith.index_cast %scan3A_42 : i32 to index
        %get3A_104 = arith.constant 32 : index
        %get3A_105 = tpu.vector_load %arg5[%get3A_102, %get3A_103, %get3A_104] {strides = array<i32>} : memref<2x125x80xi32, #tpu.memory_space<vmem>>, vector<1x1x16xi32>,
        %get3A_106 = vector.shape_cast %get3A_105 : vector<1x1x16xi32> to vector<16xi32>
        %sub3A_107 = vector.broadcast %mul3A_15 : i32 to vector<16xi32>
        %sub3A_108 = arith.subi %get3A_106, %sub3A_107 : vector<16xi32>
        %ge3A_109 = arith.constant 0 : i32
        %ge3A_110 = vector.broadcast %ge3A_109 : i32 to vector<16xi32>
        %ge3A_111 = arith.cmpi sge, %sub3A_108, %ge3A_110 : vector<16xi32>
        %lt3A_112 = arith.constant 3712 : i32
        %lt3A_113 = vector.broadcast %lt3A_112 : i32 to vector<16xi32>
        %lt3A_114 = arith.cmpi slt, %sub3A_108, %lt3A_113 : vector<16xi32>
        %and3A_115 = arith.andi %ge3A_111, %lt3A_114 : vector<16xi1>
        %and3A_116 = arith.constant 127 : i32
        %and3A_117 = vector.broadcast %and3A_116 : i32 to vector<16xi32>
        %and3A_118 = arith.andi %get3A_106, %and3A_117 : vector<16xi32>
        %add3A_119 = arith.constant 3712 : i32
        %add3A_120 = vector.broadcast %add3A_119 : i32 to vector<16xi32>
        %add3A_121 = arith.addi %add3A_120, %and3A_118 : vector<16xi32>
        %select_n3A_122 = arith.select %and3A_115, %sub3A_108, %add3A_121 : vector<16xi1>, vector<16xi32>
        %swap3A_123 = arith.constant 32 : index
        %swap3A_124 = tpu.vector_load %arg6[%swap3A_123] {strides = array<i32>} : memref<80xi32, #tpu.memory_space<vmem>>, vector<16xi32>,
        %swap3A_125 = vector.shape_cast %swap3A_124 : vector<16xi32> to vector<16xi32>
        %swap3A_126 = vector.shape_cast %select_n3A_122 : vector<16xi32> to vector<16xi32>
        tpu.vector_store %arg6[%swap3A_123], %swap3A_126 {strides = array<i32>} : memref<80xi32, #tpu.memory_space<vmem>>, vector<16xi32>,
        %get3A_127 = arith.constant 1 : i32
        %get3A_128 = arith.index_cast %get3A_127 : i32 to index
        %get3A_129 = arith.index_cast %scan3A_42 : i32 to index
        %get3A_130 = arith.constant 48 : index
        %get3A_131 = tpu.vector_load %arg5[%get3A_128, %get3A_129, %get3A_130] {strides = array<i32>} : memref<2x125x80xi32, #tpu.memory_space<vmem>>, vector<1x1x16xi32>,
        %get3A_132 = vector.shape_cast %get3A_131 : vector<1x1x16xi32> to vector<16xi32>
        %sub3A_133 = vector.broadcast %mul3A_15 : i32 to vector<16xi32>
        %sub3A_134 = arith.subi %get3A_132, %sub3A_133 : vector<16xi32>
        %ge3A_135 = arith.constant 0 : i32
        %ge3A_136 = vector.broadcast %ge3A_135 : i32 to vector<16xi32>
        %ge3A_137 = arith.cmpi sge, %sub3A_134, %ge3A_136 : vector<16xi32>
        %lt3A_138 = arith.constant 3712 : i32
        %lt3A_139 = vector.broadcast %lt3A_138 : i32 to vector<16xi32>
        %lt3A_140 = arith.cmpi slt, %sub3A_134, %lt3A_139 : vector<16xi32>
        %and3A_141 = arith.andi %ge3A_137, %lt3A_140 : vector<16xi1>
        %and3A_142 = arith.constant 127 : i32
        %and3A_143 = vector.broadcast %and3A_142 : i32 to vector<16xi32>
        %and3A_144 = arith.andi %get3A_132, %and3A_143 : vector<16xi32>
        %add3A_145 = arith.constant 3712 : i32
        %add3A_146 = vector.broadcast %add3A_145 : i32 to vector<16xi32>
        %add3A_147 = arith.addi %add3A_146, %and3A_144 : vector<16xi32>
        %select_n3A_148 = arith.select %and3A_141, %sub3A_134, %add3A_147 : vector<16xi1>, vector<16xi32>
        %swap3A_149 = arith.constant 48 : index
        %swap3A_150 = tpu.vector_load %arg6[%swap3A_149] {strides = array<i32>} : memref<80xi32, #tpu.memory_space<vmem>>, vector<16xi32>,
        %swap3A_151 = vector.shape_cast %swap3A_150 : vector<16xi32> to vector<16xi32>
        %swap3A_152 = vector.shape_cast %select_n3A_148 : vector<16xi32> to vector<16xi32>
        tpu.vector_store %arg6[%swap3A_149], %swap3A_152 {strides = array<i32>} : memref<80xi32, #tpu.memory_space<vmem>>, vector<16xi32>,
        %get3A_153 = arith.constant 1 : i32
        %get3A_154 = arith.index_cast %get3A_153 : i32 to index
        %get3A_155 = arith.index_cast %scan3A_42 : i32 to index
        %get3A_156 = arith.constant 64 : index
        %get3A_157 = tpu.vector_load %arg5[%get3A_154, %get3A_155, %get3A_156] {strides = array<i32>} : memref<2x125x80xi32, #tpu.memory_space<vmem>>, vector<1x1x16xi32>,
        %get3A_158 = vector.shape_cast %get3A_157 : vector<1x1x16xi32> to vector<16xi32>
        %sub3A_159 = vector.broadcast %mul3A_15 : i32 to vector<16xi32>
        %sub3A_160 = arith.subi %get3A_158, %sub3A_159 : vector<16xi32>
        %ge3A_161 = arith.constant 0 : i32
        %ge3A_162 = vector.broadcast %ge3A_161 : i32 to vector<16xi32>
        %ge3A_163 = arith.cmpi sge, %sub3A_160, %ge3A_162 : vector<16xi32>
        %lt3A_164 = arith.constant 3712 : i32
        %lt3A_165 = vector.broadcast %lt3A_164 : i32 to vector<16xi32>
        %lt3A_166 = arith.cmpi slt, %sub3A_160, %lt3A_165 : vector<16xi32>
        %and3A_167 = arith.andi %ge3A_163, %lt3A_166 : vector<16xi1>
        %and3A_168 = arith.constant 127 : i32
        %and3A_169 = vector.broadcast %and3A_168 : i32 to vector<16xi32>
        %and3A_170 = arith.andi %get3A_158, %and3A_169 : vector<16xi32>
        %add3A_171 = arith.constant 3712 : i32
        %add3A_172 = vector.broadcast %add3A_171 : i32 to vector<16xi32>
        %add3A_173 = arith.addi %add3A_172, %and3A_170 : vector<16xi32>
        %select_n3A_174 = arith.select %and3A_167, %sub3A_160, %add3A_173 : vector<16xi1>, vector<16xi32>
        %swap3A_175 = arith.constant 64 : index
        %swap3A_176 = tpu.vector_load %arg6[%swap3A_175] {strides = array<i32>} : memref<80xi32, #tpu.memory_space<vmem>>, vector<16xi32>,
        %swap3A_177 = vector.shape_cast %swap3A_176 : vector<16xi32> to vector<16xi32>
        %swap3A_178 = vector.shape_cast %select_n3A_174 : vector<16xi32> to vector<16xi32>
        tpu.vector_store %arg6[%swap3A_175], %swap3A_178 {strides = array<i32>} : memref<80xi32, #tpu.memory_space<vmem>>, vector<16xi32>,
        "tpu.region"() ({
          %run_scoped3A_184 = tpu.sem_alloc : memref<!tpu.dma_semaphore, #tpu.memory_space<semaphore_mem>>
          %dma_start3A = arith.constant 0 : i32
          %dma_start3A_185 = arith.constant 0 : i32
          %dma_start3A_186 = tpu.memref_slice %arg7[%rem3A_43, %dma_start3A, %dma_start3A_185] : memref<5x80x128xf32, #tpu.memory_space<vmem>> -> memref<1x80x128xf32, #tpu.memory_space<vmem>>
          %dma_start3A_187 = tpu.memref_squeeze %dma_start3A_186 : memref<1x80x128xf32, #tpu.memory_space<vmem>> -> memref<80x128xf32, #tpu.memory_space<vmem>>
          %dma_start3A_188 = arith.constant 0 : i32
          %dma_start3A_189 = arith.constant 0 : i32
          %dma_start3A_190 = tpu.memref_slice %arg9[%dma_start3A_188, %dma_start3A_189] : memref<3840x128xf32, #tpu.memory_space<vmem_shared>> -> memref<3840x128xf32, #tpu.memory_space<vmem_shared>>
          tpu.enqueue_indirect_dma source(%dma_start3A_187 : memref<80x128xf32, #tpu.memory_space<vmem>>) target(%dma_start3A_190 : memref<3840x128xf32, #tpu.memory_space<vmem_shared>>) offsets(%arg6 : memref<80xi32, #tpu.memory_space<vmem>>) semaphore(%run_scoped3A_184 : memref<!tpu.dma_semaphore, #tpu.memory_space<semaphore_mem>>) {add = true}
          %dma_wait3A_191 = arith.constant 0 : i32
          %dma_wait3A_192 = arith.constant 0 : i32
          %dma_wait3A_193 = tpu.memref_slice %arg7[%rem3A_43, %dma_wait3A_191, %dma_wait3A_192] : memref<5x80x128xf32, #tpu.memory_space<vmem>> -> memref<1x80x128xf32, #tpu.memory_space<vmem>>
          %dma_wait3A_194 = tpu.memref_squeeze %dma_wait3A_193 : memref<1x80x128xf32, #tpu.memory_space<vmem>> -> memref<80x128xf32, #tpu.memory_space<vmem>>
          %dma_wait3A_195 = arith.constant 0 : i32
          %dma_wait3A_196 = arith.constant 0 : i32
          %dma_wait3A_197 = tpu.memref_slice %arg9[%dma_wait3A_195, %dma_wait3A_196] : memref<3840x128xf32, #tpu.memory_space<vmem_shared>> -> memref<3840x128xf32, #tpu.memory_space<vmem_shared>>
          tpu.wait_indirect_dma semaphore(%run_scoped3A_184 : memref<!tpu.dma_semaphore, #tpu.memory_space<semaphore_mem>>) src(%dma_wait3A_194 : memref<80x128xf32, #tpu.memory_space<vmem>>) dst(%dma_wait3A_197 : memref<3840x128xf32, #tpu.memory_space<vmem_shared>>)
          tpu.yield
        }) : () -> ()
        %add3A_179 = arith.constant 5 : i32
        %add3A_180 = arith.addi %scan3A_42, %add3A_179 : i32
        %lt3A_181 = arith.constant 125 : i32
        %lt3A_182 = arith.cmpi slt, %add3A_180, %lt3A_181 : i32
        %convert_element_type3A = arith.extui %lt3A_182 : i1 to i32
        %cond3A = arith.constant 0 : i32
        %cond3A_183 = arith.cmpi ne, %convert_element_type3A, %cond3A : i32
        scf.if %cond3A_183 {
          %dma_start3A = arith.constant 0 : i32
          %dma_start3A_184 = arith.constant 0 : i32
          %dma_start3A_185 = arith.constant 0 : i32
          %dma_start3A_186 = tpu.memref_slice %arg7[%rem3A_43, %dma_start3A_184, %dma_start3A_185] : memref<5x80x128xf32, #tpu.memory_space<vmem>> -> memref<1x80x128xf32, #tpu.memory_space<vmem>>
          %dma_start3A_187 = tpu.memref_squeeze %dma_start3A_186 : memref<1x80x128xf32, #tpu.memory_space<vmem>> -> memref<80x128xf32, #tpu.memory_space<vmem>>
          %dma_start3A_188 = arith.constant 0 : i32
          %dma_start3A_189 = tpu.memref_slice %arg5[%dma_start3A, %add3A_180, %dma_start3A_188] : memref<2x125x80xi32, #tpu.memory_space<vmem>> -> memref<1x1x80xi32, #tpu.memory_space<vmem>>
          %dma_start3A_190 = tpu.memref_squeeze %dma_start3A_189 : memref<1x1x80xi32, #tpu.memory_space<vmem>> -> memref<80xi32, #tpu.memory_space<vmem>>
          %dma_start3A_191 = arith.constant 0 : i32
          %dma_start3A_192 = arith.constant 0 : i32
          %dma_start3A_193 = tpu.memref_slice %arg2[%dma_start3A_191, %dma_start3A_192] : memref<10000x128xf32, #tpu.memory_space<hbm>> -> memref<10000x128xf32, #tpu.memory_space<hbm>>
          tpu.enqueue_indirect_dma source(%dma_start3A_193 : memref<10000x128xf32, #tpu.memory_space<hbm>>) target(%dma_start3A_187 : memref<80x128xf32, #tpu.memory_space<vmem>>) offsets(%dma_start3A_190 : memref<80xi32, #tpu.memory_space<vmem>>) semaphore(%arg10 : memref<!tpu.dma_semaphore, #tpu.memory_space<semaphore_mem>>)
        } else {
        }
      }
      %scan3A_33 = arith.constant 125 : i32
      %barrier3A_34 = arith.constant 0 : index
      tpu.barrier barrier_id(%barrier3A_34)
      %scan3A_35 = arith.constant 0 : i32
      %scan3A_36 = arith.constant 0 : i32
      %scan3A_37 = arith.constant 2 : i32
      %scan3A_38 = arith.addi %scan3A_36, %scan3A_37 : i32
      %scan3A_39 = arith.constant 1 : i32
      scf.for %scan3A_42 = %scan3A_36 to %scan3A_38 step %scan3A_39  : i32 {
        %mul3A_43 = arith.constant 232 : i32
        %mul3A_44 = arith.muli %arg1, %mul3A_43 : i32
        %mul3A_45 = arith.constant 116 : i32
        %mul3A_46 = arith.muli %scan3A_42, %mul3A_45 : i32
        %add3A = arith.addi %mul3A_44, %mul3A_46 : i32
        "tpu.region"() ({
          %run_scoped3A_47 = tpu.sem_alloc : memref<!tpu.dma_semaphore, #tpu.memory_space<semaphore_mem>>
          %dma_start3A = arith.constant 0 : i32
          %dma_start3A_48 = arith.constant 0 : i32
          %dma_start3A_49 = tpu.memref_slice %arg4[%arg0, %scan3A_14, %arg1, %scan3A_42, %dma_start3A, %dma_start3A_48] : memref<2x3x16x2x116x128xf32, #tpu.memory_space<hbm>> -> memref<1x1x1x1x116x128xf32, #tpu.memory_space<hbm>>
          %dma_start3A_50 = tpu.memref_squeeze %dma_start3A_49 : memref<1x1x1x1x116x128xf32, #tpu.memory_space<hbm>> -> memref<116x128xf32, #tpu.memory_space<hbm>>
          %dma_start3A_51 = arith.constant 0 : i32
          %dma_start3A_52 = tpu.memref_slice %arg9[%add3A, %dma_start3A_51] : memref<3840x128xf32, #tpu.memory_space<vmem_shared>> -> memref<116x128xf32, #tpu.memory_space<vmem_shared>>
          tpu.enqueue_dma source(%dma_start3A_52 : memref<116x128xf32, #tpu.memory_space<vmem_shared>>) target(%dma_start3A_50 : memref<116x128xf32, #tpu.memory_space<hbm>>) target_semaphore(%run_scoped3A_47 : memref<!tpu.dma_semaphore, #tpu.memory_space<semaphore_mem>>)
          %dma_wait3A = arith.constant 0 : i32
          %dma_wait3A_53 = arith.constant 0 : i32
          %dma_wait3A_54 = tpu.memref_slice %arg4[%arg0, %scan3A_14, %arg1, %scan3A_42, %dma_wait3A, %dma_wait3A_53] : memref<2x3x16x2x116x128xf32, #tpu.memory_space<hbm>> -> memref<1x1x1x1x116x128xf32, #tpu.memory_space<hbm>>
          %dma_wait3A_55 = tpu.memref_squeeze %dma_wait3A_54 : memref<1x1x1x1x116x128xf32, #tpu.memory_space<hbm>> -> memref<116x128xf32, #tpu.memory_space<hbm>>
          %dma_wait3A_56 = arith.constant 0 : i32
          %dma_wait3A_57 = tpu.memref_slice %arg9[%add3A, %dma_wait3A_56] : memref<3840x128xf32, #tpu.memory_space<vmem_shared>> -> memref<116x128xf32, #tpu.memory_space<vmem_shared>>
          tpu.wait_dma2 semaphore(%run_scoped3A_47 : memref<!tpu.dma_semaphore, #tpu.memory_space<semaphore_mem>>) src(%dma_wait3A_57 : memref<116x128xf32, #tpu.memory_space<vmem_shared>>) dst(%dma_wait3A_55 : memref<116x128xf32, #tpu.memory_space<hbm>>)
          tpu.yield
        }) : () -> ()
      }
      %scan3A_40 = arith.constant 2 : i32
      %barrier3A_41 = arith.constant 0 : index
      tpu.barrier barrier_id(%barrier3A_41)
    }
    %scan3A_13 = arith.constant 3 : i32
    return
  }
}

module attributes {stable_mosaic.version = 14 : i64} {
  func.func @mm_body(%arg0: i32, %arg1: memref<2x2000x128xf32, #tpu.memory_space<vmem>>, %arg2: memref<128x128xf32, #tpu.memory_space<vmem>>, %arg3: memref<1x128xf32, #tpu.memory_space<vmem>>, %arg4: memref<2000x128xf32, #tpu.memory_space<vmem>>) attributes {dimension_semantics = [#tpu.dimension_semantics<arbitrary>], iteration_bounds = array<i64: 5>, scalar_prefetch = 0 : i64, scratch_operands = 0 : i64, tpu.core_type = #tpu.core_type<tc>, window_params = [{transform_indices = @transform_0, window_bounds = array<i64: 2, 2000, 128>}, {pipeline_mode = #tpu.pipeline_mode<synchronous>, transform_indices = @transform_1, window_bounds = array<i64: 128, 128>}, {pipeline_mode = #tpu.pipeline_mode<synchronous>, transform_indices = @transform_2, window_bounds = array<i64: 1, 128>}, {transform_indices = @transform_3, window_bounds = array<i64: 2000, 128>}]} {
    %get3A = arith.constant 0 : index
    %get3A_0 = arith.constant 0 : index
    %get3A_1 = arith.constant 0 : index
    %get3A_2 = vector.load %arg1[%get3A, %get3A_0, %get3A_1] : memref<2x2000x128xf32, #tpu.memory_space<vmem>>, vector<1x2000x128xf32>
    %get3A_3 = vector.shape_cast %get3A_2 : vector<1x2000x128xf32> to vector<2000x128xf32>
    %get3A_4 = arith.constant 1 : index
    %get3A_5 = arith.constant 0 : index
    %get3A_6 = arith.constant 0 : index
    %get3A_7 = vector.load %arg1[%get3A_4, %get3A_5, %get3A_6] : memref<2x2000x128xf32, #tpu.memory_space<vmem>>, vector<1x2000x128xf32>
    %get3A_8 = vector.shape_cast %get3A_7 : vector<1x2000x128xf32> to vector<2000x128xf32>
    %add3A = arith.addf %get3A_3, %get3A_8 : vector<2000x128xf32>
    %get3A_9 = arith.constant 0 : index
    %get3A_10 = arith.constant 0 : index
    %get3A_11 = vector.load %arg2[%get3A_9, %get3A_10] : memref<128x128xf32, #tpu.memory_space<vmem>>, vector<128x128xf32>
    %dot_general3A = arith.constant dense<0.000000e+00> : vector<2000x128xf32>
    %dot_general3A_12 = tpu.matmul %add3A, %get3A_11, %dot_general3A {dimension_numbers = #tpu.dot_dimension_numbers<[1], [0], [0], [1], [0, 0, 1, 1], [], []>, transpose_lhs_hint = false} : vector<2000x128xf32>, vector<128x128xf32>, vector<2000x128xf32> -> vector<2000x128xf32>
    %get3A_13 = arith.constant 0 : index
    %get3A_14 = arith.constant 0 : index
    %get3A_15 = vector.load %arg3[%get3A_13, %get3A_14] : memref<1x128xf32, #tpu.memory_space<vmem>>, vector<1x128xf32>
    %add3A_16 = vector.broadcast %get3A_15 : vector<1x128xf32> to vector<2000x128xf32>
    %add3A_17 = arith.addf %dot_general3A_12, %add3A_16 : vector<2000x128xf32>
    %swap3A = arith.constant 0 : index
    %swap3A_18 = arith.constant 0 : index
    %swap3A_19 = vector.load %arg4[%swap3A, %swap3A_18] : memref<2000x128xf32, #tpu.memory_space<vmem>>, vector<2000x128xf32>
    tpu.vector_store %arg4[%swap3A, %swap3A_18], %add3A_17 {strides = array<i32>} : memref<2000x128xf32, #tpu.memory_space<vmem>>, vector<2000x128xf32>,
    return
  }
  func.func @transform_0(%arg0: i32) -> (i32, i32, i32) {
    %c0_i32 = arith.constant 0 : i32
    %c0_i32_0 = arith.constant 0 : i32
    %c0_i32_1 = arith.constant 0 : i32
    return %c0_i32, %arg0, %c0_i32_0 : i32, i32, i32
  }
  func.func @transform_1(%arg0: i32) -> (i32, i32) {
    %c0_i32 = arith.constant 0 : i32
    %c0_i32_0 = arith.constant 0 : i32
    %c0_i32_1 = arith.constant 0 : i32
    return %c0_i32, %c0_i32_0 : i32, i32
  }
  func.func @transform_2(%arg0: i32) -> (i32, i32) {
    %c0_i32 = arith.constant 0 : i32
    %c0_i32_0 = arith.constant 0 : i32
    %c0_i32_1 = arith.constant 0 : i32
    return %c0_i32, %c0_i32_0 : i32, i32
  }
  func.func @transform_3(%arg0: i32) -> (i32, i32) {
    %c0_i32 = arith.constant 0 : i32
    %c0_i32_0 = arith.constant 0 : i32
    return %arg0, %c0_i32 : i32, i32
  }
}

</mosaic_0001>

<sc_bundles>
// kernel: kernel.4.cloned.1.call-start
scs
__scs_entry_jumppad:
0x0: {  	(pc) =	sbr.rel $0x88, $3  }
0x1: {  	(tag) =	ssettag $0x0;
	lr =	simm.s32 $0x1  }
0x2: {  	[smem:$0x3F9D] =	sst lr;
	_ =	strace $0xD0000000  }
0x3: {  	_ = 	snop  }
0x4: {  	_ = 	snop  }
0x5: {  	_ = 	snop  }
0x6: {  	_ = 	snop  }
0x7: {  	_ = 	snop  }
__scs_overlays_trampoline_lowered:
0x8: {  	[smem:$0x3FAC] =	sst s0  }
0x9: {  	[smem:$0x3FAD] =	sst s1  }
0xa: {  	[smem:$0x3FAE] =	sst s2  }
0xb: {  	[smem:$0x3FAF] =	sst s3  }
0xc: {  	[smem:$0x3FB0] =	sst s4  }
0xd: {  	[smem:$0x3FB1] =	sst s5  }
0xe: {  	[smem:$0x3FB2] =	sst s6  }
0xf: {  	[smem:$0x3FB3] =	sst s7  }
0x10: {  	[smem:$0x3FB4] =	sst s8  }
0x11: {  	[smem:$0x3FB5] =	sst s9;
	s0 =	simm.s32 @!p0 $0x0  }
0x12: {  	s1 =	sld [smem:$0x3F9B];
	s0 =	simm.s32 @p0 $0x1  }
0x13: {  	[smem:$0x3FB6] =	sst s0;
	s0 =	simm.s32 @!p1 $0x0  }
0x14: {  	s2 =	sld [smem:$0x3F9A];
	s0 =	simm.s32 @p1 $0x1  }
0x15: {  	[smem:$0x3FB7] =	sst s0;
	s0 =	simm.s32 @!p2 $0x0  }
0x16: {  	s3 =	sld [smem:$0x3FDB];
	s0 =	simm.s32 @p2 $0x1  }
0x17: {  	s4 =	simm.s32 $0x1BF5;
	[smem:$0x3FB9] =	sst s0  }
0x18: {  	s0 =	sld [smem:$0x3F9C];
	_ =	swait.ge [sflag:s4], $0x0  }
0x19: {  	s7 =	sld [smem:$0x3F9D]  }
0x1a: {  	s8 =	sadd.s32 $0xFFFFE003, lr  }
0x1b: {  	s9 =	sadd.s32 $0xFFFFFEF7, lr;
	s5 =	simm.s32 $0xFFFFFFFF;
	p2 =	slt.u32 s8, $0xFFFFF086  }
0x1c: {  	p1 =	slt.u32 s9, $0xF7A;
	s5 =	simm.s32 @!p2 $0x0  }
0x1d: {  	s5 =	simm.s32 @p1 $0x1;
	p0 =	seq.s32 s7, s2  }
0x1e: {  	s7 =	smul.u32 @!p0 $0xF7A, s2;
	p2 =	seq.s32 @!p0 s5, $0x0  }
0x1f: {  	s9 =	smul.u32 $0xF7A, s1;
	s8 =	simm.s32 @!p0 $0x1BF5;
	p2 =	por !p2, p0  }
0x20: {  	[sflag:s8] =	ssyncset.s32 @!p0 $0xFFFFF086;
	s6 =	sadd.s32 @!p0 s3, s7;
	s7 =	simm.s32 @!p0 $0x108  }
0x21: {  	s3 =	sadd.s32 s3, s9;
	s6 =	sadd.s32 @!p0 $0x88, s6;
	s7 =	simm.s32 @p2 $0x1082  }
0x22: {  	[simem:s7], [sflag:s8] =	dma.local @!p0 [hbm:s6], $0xF7A  }
0x23: {  	s9 =	sor.u32 $0xD0000000, s2;
	s6 =	simm.s32 $0x108;
	_ =	swait.ge @!p0 [sflag:s8], $0x0  }
0x24: {  	s3 =	sadd.s32 $0x88, s3;
	s6 =	simm.s32 @!p1 $0x1082;
	[sflag:s4] =	ssyncset.s32 $0xFFFFF086  }
0x25: {  	[simem:s6], [sflag:s4] =	dma.local [hbm:s3], $0xF7A  }
0x26: {  	[smem:$0x3F9D] =	sst s1;
	(tag) =	ssettag s2;
	_ =	strace s9  }
0x27: {  	s1 =	sld [smem:$0x3FAD]  }
0x28: {  	s2 =	sld [smem:$0x3FAE]  }
0x29: {  	s4 =	sld [smem:$0x3FB0]  }
0x2a: {  	p0 =	seq.s32 s5, $0x0;
	s5 =	sld [smem:$0x3FB1]  }
0x2b: {  	s6 =	sld [smem:$0x3FB2]  }
0x2c: {  	s7 =	sld [smem:$0x3FB3]  }
0x2d: {  	s3 =	simm.s32 $0x108;
	s8 =	sld [smem:$0x3FB4]  }
0x2e: {  	s3 =	simm.s32 @!p0 $0x1082;
	s9 =	sld [smem:$0x3FB5]  }
0x2f: {  	lr =	sadd.s32 s0, s3;
	s0 =	sld [smem:$0x3FAC]  }
0x30: {  	s3 =	sld [smem:$0x3FAF]  }
0x31: {  	[smem:$0x3FB8] =	sst s10  }
0x32: {  	s10 =	sld [smem:$0x3FB6];
	_ =	sdelay $0x3  }
0x33: {  	p0 =	seq.s32 s10, $0x1;
	s10 =	sld [smem:$0x3FB8];
	_ =	sdelay $0x3  }
0x34: {  	[smem:$0x3FB8] =	sst s10  }
0x35: {  	s10 =	sld [smem:$0x3FB7];
	_ =	sdelay $0x3  }
0x36: {  	p1 =	seq.s32 s10, $0x1;
	s10 =	sld [smem:$0x3FB8];
	_ =	sdelay $0x3  }
0x37: {  	[smem:$0x3FB8] =	sst s10  }
0x38: {  	s10 =	sld [smem:$0x3FB9]  }
0x39: {  	_ = 	snop;
	(pc) =	sbr.ind lr, $3  }
0x3a: {  	_ = 	snop  }
0x3b: {  	_ = 	snop  }
0x3c: {  	p2 =	seq.s32 s10, $0x1;
	s10 =	sld [smem:$0x3FB8]  }
0x3d: {  	_ =	shalt  }
0x3e: {  	_ =	shalt  }
0x3f: {  	_ =	shalt  }
0x40: {  	_ =	shalt  }
0x41: {  	_ =	shalt  }
0x42: {  	_ =	shalt  }
0x43: {  	_ =	shalt  }
0x44: {  	_ =	shalt  }
0x45: {  	_ =	shalt  }
0x46: {  	_ =	shalt  }
0x47: {  	_ =	shalt  }
0x48: {  	_ =	shalt  }
0x49: {  	_ =	shalt  }
0x4a: {  	_ =	shalt  }
0x4b: {  	_ =	shalt  }
0x4c: {  	_ =	shalt  }
0x4d: {  	_ =	shalt  }
0x4e: {  	_ =	shalt  }
0x4f: {  	_ =	shalt  }
0x50: {  	_ =	shalt  }
0x51: {  	_ =	shalt  }
0x52: {  	_ =	shalt  }
0x53: {  	_ =	shalt  }
0x54: {  	_ =	shalt  }
0x55: {  	_ =	shalt  }
0x56: {  	_ =	shalt  }
0x57: {  	_ =	shalt  }
0x58: {  	_ =	shalt  }
0x59: {  	_ =	shalt  }
0x5a: {  	_ =	shalt  }
0x5b: {  	_ =	shalt  }
0x5c: {  	_ =	shalt  }
0x5d: {  	_ =	shalt  }
0x5e: {  	_ =	shalt  }
0x5f: {  	_ =	shalt  }
0x60: {  	_ =	shalt  }
0x61: {  	_ =	shalt  }
0x62: {  	_ =	shalt  }
0x63: {  	_ =	shalt  }
0x64: {  	_ =	shalt  }
0x65: {  	_ =	shalt  }
0x66: {  	_ =	shalt  }
0x67: {  	_ =	shalt  }
0x68: {  	_ =	shalt  }
0x69: {  	_ =	shalt  }
0x6a: {  	_ =	shalt  }
0x6b: {  	_ =	shalt  }
0x6c: {  	_ =	shalt  }
0x6d: {  	_ =	shalt  }
0x6e: {  	_ =	shalt  }
0x6f: {  	_ =	shalt  }
0x70: {  	_ =	shalt  }
0x71: {  	_ =	shalt  }
0x72: {  	_ =	shalt  }
0x73: {  	_ =	shalt  }
0x74: {  	_ =	shalt  }
0x75: {  	_ =	shalt  }
0x76: {  	_ =	shalt  }
0x77: {  	_ =	shalt  }
0x78: {  	_ =	shalt  }
0x79: {  	_ =	shalt  }
0x7a: {  	_ =	shalt  }
0x7b: {  	_ =	shalt  }
0x7c: {  	_ =	shalt  }
0x7d: {  	_ =	shalt  }
0x7e: {  	_ =	shalt  }
0x7f: {  	_ =	shalt  }
0x80: {  	_ =	shalt  }
0x81: {  	_ =	shalt  }
0x82: {  	_ =	shalt  }
0x83: {  	_ =	shalt  }
0x84: {  	_ =	shalt  }
0x85: {  	_ =	shalt  }
0x86: {  	_ =	shalt  }
0x87: {  	_ =	shalt  }
.Lfunc_end0:
.L_simem_size_0:
called_computation_lowered:
.L_overlay_start_0:
0x88: {  	s2 =	sld [smem:$0x3FD9]  }
0x89: {  	s3 =	sld [smem:$0x3FFE];
	_ =	sdelay $0x1  }
0x8a: {  	s1 =	srdreg.scid  }
0x8b: {  	s0 =	sand.u32 $0x1, s1  }
0x8c: {  	s17 =	sshll.u32 s0, $0xA;
	s2 =	sadd.s32 s3, s2  }
0x8d: {  	s2 =	sadd.s32 s2, s17  }
0x8e: {  	[smem:$0x3FC4] =	sst s2  }
0x8f: {  	_ = 	snop  }
0x90: {  	s2 =	sld [smem:$0x3FC9]  }
0x91: {  	s18 =	sld [smem:$0x3FD0];
	(tm) =	ssettm $0x1  }
0x92: {  	s4 =	sld [smem:$0x3FFB];
	_ =	sdelay $0x3  }
0x93: {  	_ =	strace s4  }
0x94: {  	s4 =	sld [smem:$0x3FFC];
	_ =	sdelay $0x3  }
0x95: {  	_ =	strace s4  }
0x96: {  	s4 =	sld [smem:$0x3FFD];
	_ =	sdelay $0x3  }
0x97: {  	_ =	strace s4  }
0x98: {  	_ =	strace $0x8FFFFFFF  }
0x99: {  	s19 =	sld [smem:$0x3FDB];
	_ =	sdelay $0x1  }
0x9a: {  	s5 =	simm.s32 $_scs_section_size  }
0x9b: {  	s6 =	simm.s32 $_size__tile_overlayer_lowered;
	s7 =	simm.s32 $_tile_overlayer_lowered  }
0x9c: {  	s22 =	simm.s32 $0x1BFF;
	s21 =	sshll.u32 s7, $0x1;
	s4 =	sadd.s32 s5, s19  }
0x9d: {  	s8 =	simm.s32 $0x0;
	s20 =	sshll.u32 s6, $0x1;
	s6 =	sadd.s32 s21, s4  }
0x9e: {  	[timem:s8], [sflag:s22] =	dma.local [hbm:s6], s20  }
0x9f: {  	_ =	swait.ge [sflag:s22], s20  }
0xa0: {  	s5 =	ssub.s32 $0x0, s20;
	[sflag:s22] =	ssyncset.done $0x0  }
0xa1: {  	[sflag:s22] =	ssyncadd.s32 s5;
	_ =	sdelay $0x1  }
0xa2: {  	s23 =	simm.s32 $0x1B8B  }
0xa3: {  	_ =	swait.ge [sflag:s23], $0x1  }
0xa4: {  	[sflag:s23] =	ssyncset.done $0x0  }
0xa5: {  	s25 =	simm.s32 $0x1B8E;
	s24 =	sld [smem:$0x3FFE];
	[sflag:s23] =	ssyncadd.s32 $0xFFFFFFFF  }
0xa6: {  	s26 =	simm.s32 $execute0_lowered;
	[smem:$0x3FD2] =	sst s25  }
0xa7: {  	s6 =	sshll.u32 s26, $0x1;
	_ =	strace $0x80000046;
	[dreg:$0x1] =	wrdreg $0xFFFFFFFF  }
0xa8: {  	s28 =	simm.s32 $_size_execute0_lowered;
	s4 =	sadd.s32 s4, s6;
	[dreg:$0x0] =	wrdreg $0x0  }
0xa9: {  	s6 =	sshll.u32 s28, $0x1;
	[dreg:$0x2] =	wrdreg s4  }
0xaa: {  	[dreg:$0x3] =	wrdreg s6  }
0xab: {  	[dreg:$0x4] =	wrdreg $0xC0  }
0xac: {  	_ =	task [dreg:s8], $0x5FFFF  }
0xad: {  	[dreg:$0x1] =	wrdreg $0xFFFFFFFF  }
0xae: {  	[dreg:$0x0] =	wrdreg $0x60  }
0xaf: {  	[dreg:$0x2] =	wrdreg s2  }
0xb0: {  	[dreg:$0x3] =	wrdreg s18  }
0xb1: {  	[dreg:$0x4] =	wrdreg s24  }
0xb2: {  	[dreg:$0x5] =	wrdreg $0x184800  }
0xb3: {  	[dreg:$0x6] =	wrdreg $0x9  }
0xb4: {  	_ =	task.clear_ibuf [dreg:s8], $0x7FFFF;
	_ =	strace $0x90000046  }
0xb5: {  	s29 =	simm.s32 $0x9;
	_ =	strace $0x80000048  }
0xb6: {  	_ =	swait.ge [sflag:s29], $0x1  }
0xb7: {  	[sflag:s29] =	ssyncadd.s32 $0xFFFFFFFF  }
0xb8: {  	_ =	strace $0x90000048  }
0xb9: {  	_ =	sfence  }
0xba: {  	s30 =	sld [smem:$0x0];
	_ =	sdelay $0x2  }
0xbb: {  	s31 =	sshll.u32 s1, $0xD;
	s1 =	sshrl.u32 s1, $0x2  }
0xbc: {  	s3 =	sand.u32 $0x4000, s31;
	s1 =	sadd.s32 s1, s30  }
0xbd: {  	s0 =	sor.u32 s3, s0;
	s1 =	sshll.u32 s1, $0x11  }
0xbe: {  	s0 =	sor.u32 s1, s0  }
0xbf: {  	s0 =	sadd.s32 $0x8F2B, s0  }
0xc0: {  	[sflag:s0] =	ssyncadd.remote.s32 $0x1  }
0xc1: {  	_ =	sfence.sel $0xFFFF  }
0xc2: {  	[dreg:$0x0] =	wrdreg $0xFFFFFFFF;
	(pc) =	sbr.abs _section_cstart, $3  }
0xc3: {  	[dreg:$0x1] =	wrdreg $0xFFFFFFFF  }
0xc4: {  	_ =	task.clear_ibuf [dreg:s8], $0x2FFFF;
	_ =	strace $0x9FFFFFFF  }
0xc5: {  	(tm) =	ssettm $0x7FFFFFFF  }
tec
execute0_lowered:
.L_overlay_start_1:
0x0: {  	(tag) =	ssettag $0x1  }
0x1: {  	s1 =	rddreg [dreg:$0x0]  }
0x2: {  	s0 =	rddreg [dreg:$0x1]  }
0x3: {  	s3 =	rddreg [dreg:$0x2]  }
0x4: {  	s2 =	rddreg [dreg:$0x3];
	s4 =	simm.s32 $0x0  }
0x5: {  	s25 =	srdreg.scid;
	s12 =	simm.s32 $0x2;
	s14 =	simm.s32 $0x14880  }
0x6: {  	s15 =	simm.s32 $0x50;
	s16 =	simm.s32 $0x8080;
	s17 =	simm.s32 $0x80  }
0x7: {  	s18 =	simm.s32 $0xA880;
	s19 =	simm.s32 $0x100;
	s20 =	simm.s32 $0xD080  }
0x8: {  	s21 =	simm.s32 $0x180;
	s22 =	simm.s32 $0xF880;
	s23 =	simm.s32 $0x200  }
0x9: {  	s24 =	simm.s32 $0x12080;
	s28 =	simm.s32 $0x0;
	s29 =	simm.s32 $0x0  }
0xa: {  	[smem:$0x7FF] =	sst s4;
	s5 =	sadd.s32 $0x800, s3;
	s26 =	sand.u32 $0x1, s25  }
0xb: {  	s4 =	stileid.u32;
	s25 =	simm.s32 $0x1;
	s7 =	smul.u32 $0x168000, s26  }
0xc: {  	_ =	strace $0x80000047;
	s6 =	ssub.s32 $0x2, s26;
	s9 =	smul.u32 $0x1D000, s4  }
0xd: {  	s3 =	sshll.u32 s26, $0xF;
	s8 =	sshll.u32 s4, $0xB;
	s30 =	smul.u32 $0x7800, s4  }
0xe: {  	s26 =	simm.s32 $0x8000;
	s10 =	sshrl.u32 s6, $0x1;
	s3 =	sor.u32 s8, s3  }
0xf: {  	s10 =	ssub.s32 s6, s10;
	s6 =	sadd.s32 s0, s3;
	s31 =	sshrl.u32 s9, $0x2  }
0x10: {  	s8 =	sadd.s32 s7, s30;
	s3 =	sadd.s32 $0x10000, s6;
	s9 =	sadd.s32 s31, s2  }
0x11: {  	v0 =	vimm.f32 $0.0e+00;
	s10 =	smax.u32 s10, $0x1;
	[dreg:$0x5] =	wrdreg s3;
	s11 =	sadd.s32 $0x3A00, s9  }
.LBB2_1:
0x12: {  	s0 =	simm.s32 $0x0  }
0x13: {  	[tilespmem:s0], [sflag:$0x2] =	stream.linear.gather [hbm4b:s6+s0], $0x3E80, $0x38;
	[tilespmem:$0x1FC80] =	vst v63  }
0x14: {  	_ =	swait.ge [sflag:s12], $0x3E80  }
0x15: {  	[sflag:s12] =	ssyncset.done $0x0  }
0x16: {  	s7 =	simm.s32 $0x4000;
	s3 =	rddreg [dreg:$0x5];
	[sflag:s12] =	ssyncadd.s32 $0xFFFFC180  }
0x17: {  	[tilespmem:s7], [sflag:$0x2] =	stream.linear.gather [hbm4b:s3+s0], $0x3E80, $0x38;
	[tilespmem:$0x1FC80] =	vst v63  }
0x18: {  	_ =	swait.ge [sflag:s12], $0x3E80  }
0x19: {  	[sflag:s12] =	ssyncset.done $0x0  }
0x1a: {  	s0 =	simm.s32 $0x0;
	s3 =	simm.s32 $0x200;
	[sflag:s12] =	ssyncadd.s32 $0xFFFFC180  }
.LBB2_2:
0x1b: {  	p0 =	sne.s32 s3, $0xE600;
	[tilespmem:s0+$0x148F0] =	vst v0  }
0x1c: {  	[tilespmem:s0+$0x14880] =	vst v0  }
0x1d: {  	[tilespmem:s0+$0x14890] =	vst v0  }
.Ltmp0:
0x1e: {  	[tilespmem:s0+$0x148A0] =	vst v0;
	(pc) =	sbr.rel @p0 .LBB2_2-.Ltmp0, $4  }
0x1f: {  	[tilespmem:s0+$0x148B0] =	vst v0  }
0x20: {  	[tilespmem:s0+$0x148C0] =	vst v0  }
0x21: {  	[tilespmem:s0+$0x148D0] =	vst v0  }
0x22: {  	[tilespmem:s0+$0x148E0] =	vst v0;
	s0 =	sshra.s32 s3, $0x2;
	s3 =	sadd.s32 $0x200, s3  }
0x23: {  	[tilespmem:s0+$0x148F0] =	vst v0  }
0x24: {  	[tilespmem:s0+$0x14880] =	vst v0  }
0x25: {  	[tilespmem:s0+$0x14890] =	vst v0  }
0x26: {  	[tilespmem:s0+$0x148A0] =	vst v0  }
0x27: {  	[tilespmem:s0+$0x148B0] =	vst v0  }
0x28: {  	[tilespmem:s0+$0x148C0] =	vst v0  }
0x29: {  	[tilespmem:s0+$0x148D0] =	vst v0  }
0x2a: {  	[tilespmem:s0+$0x148E0] =	vst v0;
	s30 =	simm.s32 $0x0  }
.LBB2_4:
0x2b: {  	[spmem:s9] =	stream.linear.scatter [tilespmem:s14], [sflag:$0x2], $0x3A00, $0x38;
	[tilespmem:$0x1FC80] =	vst v63  }
0x2c: {  	_ =	swait.ge [sflag:s12], $0x3A00  }
0x2d: {  	[sflag:s12] =	ssyncset.done $0x0  }
0x2e: {  	[sflag:s12] =	ssyncadd.s32 $0xFFFFC600  }
0x2f: {  	[spmem:s11] =	stream.linear.scatter [tilespmem:s14], [sflag:$0x2], $0x3A00, $0x38;
	[tilespmem:$0x1FC80] =	vst v63  }
0x30: {  	_ =	swait.ge [sflag:s12], $0x3A00  }
0x31: {  	[sflag:s12] =	ssyncset.done $0x0  }
0x32: {  	[sflag:s12] =	ssyncadd.s32 $0xFFFFC600  }
0x33: {  	[bflag:$0x0] =	sbarrier.arrive $0xFFFF  }
0x34: {  	[tilespmem:s16], [sflag:$0x1] =	stream.indirect.gather [hbm4b:s1+s15], $0x80, s29, s15, $0xb8;
	[tilespmem:$0x1FC80] =	vst v63  }
0x35: {  	_ = 	snop  }
0x36: {  	[tilespmem:s18], [sflag:$0x1] =	stream.indirect.gather [hbm4b:s1+s15], $0x80, s17, s15, $0xb8;
	[tilespmem:$0x1FC80] =	vst v63  }
0x37: {  	_ = 	snop  }
0x38: {  	[tilespmem:s20], [sflag:$0x1] =	stream.indirect.gather [hbm4b:s1+s15], $0x80, s19, s15, $0xb8;
	[tilespmem:$0x1FC80] =	vst v63  }
0x39: {  	_ = 	snop  }
0x3a: {  	[tilespmem:s22], [sflag:$0x1] =	stream.indirect.gather [hbm4b:s1+s15], $0x80, s21, s15, $0xb8;
	[tilespmem:$0x1FC80] =	vst v63  }
0x3b: {  	_ = 	snop  }
0x3c: {  	[tilespmem:s24], [sflag:$0x1] =	stream.indirect.gather [hbm4b:s1+s15], $0x80, s23, s15, $0xb8;
	[tilespmem:$0x1FC80] =	vst v63  }
0x3d: {  	_ =	swait.ge [sflag:s25], $0x2800  }
0x3e: {  	[sflag:s25] =	ssyncset.done $0x0  }
0x3f: {  	s0 =	simm.s32 $0x0;
	[sflag:s25] =	ssyncadd.s32 $0xFFFFD800  }
0x40: {  	v2 =	vld [tilespmem:s0+$0x4000];
	_ =	sdelay $0x1  }
0x41: {  	s3 =	smul.u32 $0xE80, s30;
	_ =	sdelay $0x1  }
0x42: {  	v1 =	vmov s3  }
0x43: {  	v3 =	vsub.s32 v2, v1;
	v2 =	vand.u32 $0x7F, v2  }
0x44: {  	vm0 =	vlt.u32 v3, $0xE80;
	v2 =	vor.u32 $0xE80, v2  }
0x45: {  	v2 =	vsel vm0, v3, v2  }
0x46: {  	[tilespmem:$0x8000] =	vst v2  }
0x47: {  	v2 =	vld [tilespmem:s0+$0x4010];
	_ =	sdelay $0x4  }
0x48: {  	v3 =	vsub.s32 v2, v1;
	v2 =	vand.u32 $0x7F, v2  }
0x49: {  	vm12 =	vlt.u32 v3, $0xE80;
	v2 =	vor.u32 $0xE80, v2  }
0x4a: {  	v2 =	vsel vm12, v3, v2  }
0x4b: {  	[tilespmem:$0x8010] =	vst v2  }
0x4c: {  	v2 =	vld [tilespmem:s0+$0x4020];
	_ =	sdelay $0x4  }
0x4d: {  	v3 =	vsub.s32 v2, v1;
	v2 =	vand.u32 $0x7F, v2  }
0x4e: {  	vm13 =	vlt.u32 v3, $0xE80;
	v2 =	vor.u32 $0xE80, v2  }
0x4f: {  	v2 =	vsel vm13, v3, v2  }
0x50: {  	[tilespmem:$0x8020] =	vst v2  }
0x51: {  	v2 =	vld [tilespmem:s0+$0x4030];
	_ =	sdelay $0x4  }
0x52: {  	v3 =	vsub.s32 v2, v1;
	v2 =	vand.u32 $0x7F, v2  }
0x53: {  	s7 =	smul.u32 $0xCD, s29;
	vm14 =	vlt.u32 v3, $0xE80;
	v2 =	vor.u32 $0xE80, v2  }
0x54: {  	v2 =	vsel vm14, v3, v2  }
0x55: {  	s3 =	sshrl.u32 s7, $0xA;
	[tilespmem:$0x8030] =	vst v2  }
0x56: {  	s3 =	sand.u32 $0x3F, s3;
	v2 =	vld [tilespmem:s0+$0x4040]  }
0x57: {  	s13 =	smul.u32 $0x5, s3;
	_ =	sdelay $0x1  }
0x58: {  	s0 =	ssub.s32 $0x0, s13  }
0x59: {  	s0 =	sand.u32 $0xFF, s0  }
0x5a: {  	s0 =	smul.u32 $0xA000, s0;
	v3 =	vsub.s32 v2, v1;
	v2 =	vand.u32 $0x7F, v2  }
0x5b: {  	vm15 =	vlt.u32 v3, $0xE80;
	v2 =	vor.u32 $0xE80, v2  }
0x5c: {  	s0 =	sshrl.u32 s0, $0x2;
	v2 =	vsel vm15, v3, v2  }
0x5d: {  	s3 =	sadd.s32 $0x8080, s0;
	[tilespmem:$0x8040] =	vst v2  }
0x5e: {  	[spmem:s2] =	stream.indirect.scatter.add.f32 [tilespmem:s3], [sflag:$0x2], $0x80, s26, s15, $0xb8;
	[tilespmem:$0x1FC80] =	vst v63  }
0x5f: {  	p1 =	por $0x0, $0x0;
	_ =	swait.ge [sflag:s12], $0x2800  }
0x60: {  	s31 =	simm.s32 $0x200;
	s7 =	simm.s32 @!p1 $0x50;
	[sflag:s12] =	ssyncset.done $0x0  }
0x61: {  	s13 =	simm.s32 @!p1 $0x280;
	s0 =	simm.s32 $0x1;
	[sflag:s12] =	ssyncadd.s32 $0xFFFFD800  }
.LBB2_5:
0x62: {  	[tilespmem:s3], [sflag:$0x1] =	stream.indirect.gather @!p1 [hbm4b:s1+s7], $0x80, s13, s7, $0xb8;
	[tilespmem:$0x1FC80] =	vst v63  }
0x63: {  	s13 =	smov.u32 s31;
	s31 =	sadd.s32 $0x200, s31;
	_ =	swait.ge [sflag:s25], $0x2800  }
0x64: {  	p0 =	sne.s32 s31, $0xFA00;
	[sflag:s25] =	ssyncset.done $0x0  }
0x65: {  	s3 =	sshra.s32 s13, $0x2;
	[sflag:s25] =	ssyncadd.s32 $0xFFFFD800  }
0x66: {  	v2 =	vld [tilespmem:s3+$0x4000];
	_ =	sdelay $0x4  }
0x67: {  	v3 =	vsub.s32 v2, v1;
	v2 =	vand.u32 $0x7F, v2  }
0x68: {  	vm0 =	vlt.u32 v3, $0xE80;
	v2 =	vor.u32 $0xE80, v2  }
0x69: {  	v2 =	vsel vm0, v3, v2  }
0x6a: {  	[tilespmem:$0x8000] =	vst v2  }
0x6b: {  	v2 =	vld [tilespmem:s3+$0x4010];
	_ =	sdelay $0x4  }
0x6c: {  	v3 =	vsub.s32 v2, v1;
	v2 =	vand.u32 $0x7F, v2  }
0x6d: {  	vm0 =	vlt.u32 v3, $0xE80;
	v2 =	vor.u32 $0xE80, v2  }
0x6e: {  	v2 =	vsel vm0, v3, v2  }
0x6f: {  	[tilespmem:$0x8010] =	vst v2  }
0x70: {  	v2 =	vld [tilespmem:s3+$0x4020];
	_ =	sdelay $0x4  }
0x71: {  	v3 =	vsub.s32 v2, v1;
	v2 =	vand.u32 $0x7F, v2  }
0x72: {  	vm0 =	vlt.u32 v3, $0xE80;
	v2 =	vor.u32 $0xE80, v2  }
0x73: {  	v2 =	vsel vm0, v3, v2  }
0x74: {  	[tilespmem:$0x8020] =	vst v2  }
0x75: {  	v2 =	vld [tilespmem:s3+$0x4030];
	_ =	sdelay $0x4  }
0x76: {  	v3 =	vsub.s32 v2, v1;
	v2 =	vand.u32 $0x7F, v2  }
0x77: {  	s7 =	smul.u32 $0xCD, s0;
	vm0 =	vlt.u32 v3, $0xE80;
	v2 =	vor.u32 $0xE80, v2  }
0x78: {  	v2 =	vsel vm0, v3, v2  }
0x79: {  	s7 =	sshrl.u32 s7, $0xA;
	[tilespmem:$0x8030] =	vst v2  }
0x7a: {  	s7 =	sand.u32 $0x3F, s7;
	v2 =	vld [tilespmem:s3+$0x4040]  }
0x7b: {  	s3 =	smul.u32 $0x5, s7;
	_ =	sdelay $0x1  }
0x7c: {  	s3 =	ssub.s32 s0, s3  }
0x7d: {  	s3 =	sand.u32 $0xFF, s3  }
0x7e: {  	s3 =	smul.u32 $0xA000, s3;
	v3 =	vsub.s32 v2, v1;
	v2 =	vand.u32 $0x7F, v2  }
0x7f: {  	vm0 =	vlt.u32 v3, $0xE80;
	v2 =	vor.u32 $0xE80, v2  }
0x80: {  	s3 =	sshrl.u32 s3, $0x2;
	v2 =	vsel vm0, v3, v2  }
.Ltmp1:
0x81: {  	s3 =	sadd.s32 $0x8080, s3;
	[tilespmem:$0x8040] =	vst v2;
	(pc) =	sbr.rel @p0 .LBB2_5-.Ltmp1, $4  }
0x82: {  	[spmem:s2] =	stream.indirect.scatter.add.f32 [tilespmem:s3], [sflag:$0x2], $0x80, s26, s15, $0xb8;
	[tilespmem:$0x1FC80] =	vst v63  }
0x83: {  	p1 =	sgt.u32 s0, $0x77;
	_ =	swait.ge [sflag:s12], $0x2800  }
0x84: {  	s7 =	sshra.s32 @!p1 s13, $0x2;
	s0 =	sadd.s32 $0x1, s0;
	[sflag:s12] =	ssyncset.done $0x0  }
0x85: {  	s13 =	sadd.s32 @!p1 $0x280, s7;
	s7 =	simm.s32 @!p1 $0x50;
	[sflag:s12] =	ssyncadd.s32 $0xFFFFD800  }
0x86: {  	s0 =	smul.u32 $0x78000, s30  }
0x87: {  	[tilespmem:s3], [sflag:$0x1] =	stream.indirect.gather @!p1 [hbm4b:s1+s7], $0x80, s13, s7, $0xb8;
	[tilespmem:$0x1FC80] =	vst v63  }
0x88: {  	s0 =	sadd.s32 s0, s8  }
0x89: {  	s7 =	sshll.u32 s4, $0x6;
	s13 =	sshrl.u32 s9, $0x3;
	s0 =	sshrl.u32 s0, $0x3  }
0x8a: {  	[bflag:$0x0] =	sbarrier.arrive $0xFFFF;
	s3 =	sor.u32 $0x1C02, s7;
	s0 =	sadd.s32 s5, s0  }
0x8b: {  	[hbm:s0], [sflag:s3] =	dma.local [spmem:s13], $0x740  }
0x8c: {  	_ =	swait.ge [sflag:s12], $0x740  }
0x8d: {  	s31 =	sshrl.u32 s11, $0x3;
	s30 =	sadd.s32 $0x1, s30;
	[sflag:s12] =	ssyncset.done $0x0  }
0x8e: {  	p0 =	sne.s32 s30, $0x3;
	s0 =	sadd.s32 $0x780, s0;
	[sflag:s12] =	ssyncadd.s32 $0xFFFFF8C0  }
0x8f: {  	[hbm:s0], [sflag:s3] =	dma.local [spmem:s31], $0x740  }
.Ltmp2:
0x90: {  	_ =	swait.ge [sflag:s12], $0x740;
	(pc) =	sbr.rel @p0 .LBB2_4-.Ltmp2, $3  }
0x91: {  	[sflag:s12] =	ssyncset.done $0x0  }
0x92: {  	[sflag:s12] =	ssyncadd.s32 $0xFFFFF8C0  }
0x93: {  	[bflag:$0x0] =	sbarrier.arrive $0xFFFF;
	_ =	sdelay $0x1  }
0x94: {  	s28 =	sadd.s32 $0x1, s28  }
0x95: {  	p0 =	sne.s32 s28, s10  }
.Ltmp3:
0x96: {  	_ = 	snop;
	(pc) =	sbr.rel @p0 .LBB2_1-.Ltmp3, $1  }
0x97: {  	_ =	sdelay $0x3  }
0x98: {  	_ =	sfence.sel $0x180000  }
0x99: {  	[bflag:$0x0] =	sbarrier.arrive $0xFFFF  }
0x9a: {  	_ =	strace $0x90000047  }
0x9b: {  	[bflag:$0x2] =	sbarrier.arrive $0xFFFF  }
0x9c: {  	p0 =	sne.s32 s4, $0x0;
	s0 =	rddreg [dreg:$0x4]  }
0x9d: {  	s0 =	sadd.s32 @!p0 $0x100000, s0  }
0x9e: {  	[sflag:s0] =	ssyncadd.tile.s32 @!p0 $0x1;
	_ =	shalt  }
.Lfunc_end2:
_tile_overlayer_lowered:
.L_overlay_start_2:
0x9f: {  	(tag) =	ssettag $0x2  }
0xa0: {  	s0 =	rddreg [dreg:$0x0];
	s2 =	stileid.u32  }
0xa1: {  	s1 =	rddreg [dreg:$0x1];
	p0 =	sne.s32 s2, $0x0  }
0xa2: {  	s3 =	rddreg [dreg:$0x2];
	[bflag:$0x3] =	sbarrier.arrive $0xFFFF;
	s2 =	simm.s32 @!p0 $0x1C02  }
0xa3: {  	[timem:s3], [sflag:s2] =	dma.local @!p0 [hbm:s0], s1  }
0xa4: {  	s0 =	simm.s32 @!p0 $0x2  }
0xa5: {  	_ =	swait.ge @!p0 [sflag:s0], s1  }
0xa6: {  	s1 =	ssub.s32 @!p0 $0x0, s1;
	[sflag:s0] =	ssyncset.done @!p0 $0x0  }
0xa7: {  	[sflag:s0] =	ssyncadd.s32 @!p0 s1  }
0xa8: {  	[bflag:$0x3] =	sbarrier.arrive $0xFFFF  }
0xa9: {  	_ =	shalt  }

</sc_bundles>
